<compile_context>
chip_gen: v7x
topology: tpu7x:2x2x1
jax: 0.10.2.dev20260603
libtpu: 0.0.44.dev20260713+nightly
codegen_flags: <defaults>
</compile_context>

<pallas_src>
import functools

import jax
import jax.numpy as jnp
from jax import lax
from jax.experimental import pallas as pl
from jax.experimental.pallas import tpu as pltpu
from jax.experimental.pallas import tpu_sc as plsc

_N = 10000
_E = 320000
_D = 128
_H = 128
_G = 64

_NC = 2
_NS = 16
_NW = _NC * _NS
_EPW = _E // _NW
_CH = 80
_NCHUNK = _EPW // _CH
_RPT = 624
_TAIL = _N - _NS * _RPT
_TAIL0 = _NS * _RPT

_RB = 1000
_NB = _N // _RB

_mesh = plsc.VectorSubcoreMesh(core_axis_name="c", subcore_axis_name="s")


@functools.partial(
    pl.kernel,
    mesh=_mesh,
    out_type=jax.ShapeDtypeStruct((2 * _N,), jnp.float32),
    scratch_types=[
        pltpu.VMEM((_NCHUNK, _CH), jnp.int32),
        pltpu.VMEM((_CH,), jnp.float32),
        pltpu.VMEM((_N,), jnp.float32),
        pltpu.VMEM_SHARED((_N,), jnp.float32),
    ],
)
def _deg_call(dst_hbm, deg_hbm, dst2d, ones_v, zero_v, deg_sh):
    cid = lax.axis_index("c")
    sid = lax.axis_index("s")
    wid = sid * _NC + cid
    pltpu.sync_copy(dst_hbm.at[wid], dst2d)

    def _fill_ones(i, c):
        ones_v[pl.ds(i * 16, 16)] = jnp.ones((16,), jnp.float32)
        return c

    lax.fori_loop(0, _CH // 16, _fill_ones, 0)

    @pl.when(sid == 0)
    def _():
        def _fill_zero(i, c):
            zero_v[pl.ds(i * 16, 16)] = jnp.zeros((16,), jnp.float32)
            return c

        lax.fori_loop(0, _N // 16, _fill_zero, 0)
        pltpu.sync_copy(zero_v, deg_sh)

    plsc.subcore_barrier()

    def _scat(j, c):
        pltpu.sync_copy(ones_v, deg_sh.at[dst2d.at[j]], add=True)
        return c

    lax.fori_loop(0, _NCHUNK, _scat, 0)
    plsc.subcore_barrier()

    @pl.when(sid == 0)
    def _():
        pltpu.sync_copy(deg_sh, zero_v)
        pltpu.sync_copy(zero_v, deg_hbm.at[pl.ds(cid * _N, _N)])


@functools.partial(
    pl.kernel,
    mesh=_mesh,
    out_type=jax.ShapeDtypeStruct((2 * _N, _H), jnp.float32),
    scratch_types=[
        pltpu.VMEM((_NCHUNK, _CH), jnp.int32),
        pltpu.VMEM((_NCHUNK, _CH), jnp.int32),
        pltpu.VMEM((_CH, _H), jnp.float32),
        pltpu.VMEM_SHARED((_N, _H), jnp.float32),
        pltpu.SemaphoreType.DMA,
    ],
)
def _agg_call(h_hbm, src_hbm, dst_hbm, zeros_hbm, out_hbm, src2d, dst2d,
              rows_v, acc_sh, sem):
    cid = lax.axis_index("c")
    sid = lax.axis_index("s")
    wid = sid * _NC + cid
    pltpu.sync_copy(src_hbm.at[wid], src2d)
    pltpu.sync_copy(dst_hbm.at[wid], dst2d)

    pltpu.sync_copy(zeros_hbm.at[pl.ds(sid * _RPT, _RPT)],
                    acc_sh.at[pl.ds(sid * _RPT, _RPT)])

    @pl.when(sid == 0)
    def _():
        pltpu.sync_copy(zeros_hbm.at[pl.ds(_TAIL0, _TAIL)],
                        acc_sh.at[pl.ds(_TAIL0, _TAIL)])

    plsc.subcore_barrier()

    def _step(j, c):
        pltpu.async_copy(h_hbm.at[src2d.at[j]], rows_v, sem).wait()
        pltpu.sync_copy(rows_v, acc_sh.at[dst2d.at[j]], add=True)
        return c

    lax.fori_loop(0, _NCHUNK, _step, 0)
    plsc.subcore_barrier()

    pltpu.sync_copy(acc_sh.at[pl.ds(sid * _RPT, _RPT)],
                    out_hbm.at[pl.ds(cid * _N + sid * _RPT, _RPT)])

    @pl.when(sid == 0)
    def _():
        pltpu.sync_copy(acc_sh.at[pl.ds(_TAIL0, _TAIL)],
                        out_hbm.at[pl.ds(cid * _N + _TAIL0, _TAIL)])


def _l1_body(x_ref, w_ref, d0_ref, d1_ref, hp_ref, s_ref):
    s = lax.rsqrt(1.0 + d0_ref[0] + d1_ref[0])
    hp_ref[...] = jnp.dot(x_ref[...], w_ref[...],
                          preferred_element_type=jnp.float32) * s
    s_ref[...] = s


def _l2_body(p0_ref, p1_ref, hp1_ref, s_ref, b1_ref, w_ref, hp2_ref):
    s = s_ref[...]
    z1 = jnp.maximum(
        s * (p0_ref[0] + p1_ref[0] + hp1_ref[...]) + b1_ref[...], 0.0)
    hp2_ref[...] = jnp.dot(z1, w_ref[...],
                           preferred_element_type=jnp.float32) * s


def _pool_body(q0_ref, q1_ref, hp2_ref, s_ref, b2_ref, bat_ref, out_ref,
               acc_ref, cnt_ref):
    i = pl.program_id(0)

    @pl.when(i == 0)
    def _():
        acc_ref[...] = jnp.zeros_like(acc_ref)
        cnt_ref[...] = jnp.zeros_like(cnt_ref)

    z2 = s_ref[...] * (q0_ref[0] + q1_ref[0] + hp2_ref[...]) + b2_ref[...]
    gid = lax.broadcasted_iota(jnp.int32, (_RB, _G), 1).astype(jnp.float32)
    p = (bat_ref[...] == gid).astype(jnp.float32)
    acc_ref[...] += lax.dot_general(p, z2, (((0,), (0,)), ((), ())),
                                    preferred_element_type=jnp.float32)
    cnt_ref[...] += lax.dot_general(p, jnp.ones((_RB, 1), jnp.float32),
                                    (((0,), (0,)), ((), ())),
                                    preferred_element_type=jnp.float32)

    @pl.when(i == _NB - 1)
    def _():
        out_ref[...] = acc_ref[...] / jnp.maximum(cnt_ref[...], 1.0)


def kernel(x, edge_index, batch, W1, b1, W2, b2):
    src3d = edge_index[0].reshape(_NW, _NCHUNK, _CH)
    dst3d = edge_index[1].reshape(_NW, _NCHUNK, _CH)
    zeros = jnp.zeros((_N, _H), jnp.float32)

    degp = _deg_call(dst3d).reshape(2, _N, 1)

    hp1, s = pl.pallas_call(
        _l1_body,
        grid=(_NB,),
        in_specs=[
            pl.BlockSpec((_RB, _D), lambda i: (i, 0)),
            pl.BlockSpec((_D, _H), lambda i: (0, 0)),
            pl.BlockSpec((1, _RB, 1), lambda i: (0, i, 0)),
            pl.BlockSpec((1, _RB, 1), lambda i: (1, i, 0)),
        ],
        out_specs=[
            pl.BlockSpec((_RB, _H), lambda i: (i, 0)),
            pl.BlockSpec((_RB, 1), lambda i: (i, 0)),
        ],
        out_shape=[
            jax.ShapeDtypeStruct((_N, _H), jnp.float32),
            jax.ShapeDtypeStruct((_N, 1), jnp.float32),
        ],
    )(x, W1, degp, degp)

    agg1 = _agg_call(hp1, src3d, dst3d, zeros).reshape(2, _N, _H)

    hp2 = pl.pallas_call(
        _l2_body,
        grid=(_NB,),
        in_specs=[
            pl.BlockSpec((1, _RB, _H), lambda i: (0, i, 0)),
            pl.BlockSpec((1, _RB, _H), lambda i: (1, i, 0)),
            pl.BlockSpec((_RB, _H), lambda i: (i, 0)),
            pl.BlockSpec((_RB, 1), lambda i: (i, 0)),
            pl.BlockSpec((1, _H), lambda i: (0, 0)),
            pl.BlockSpec((_H, _H), lambda i: (0, 0)),
        ],
        out_specs=pl.BlockSpec((_RB, _H), lambda i: (i, 0)),
        out_shape=jax.ShapeDtypeStruct((_N, _H), jnp.float32),
    )(agg1, agg1, hp1, s, b1.reshape(1, _H), W2)

    agg2 = _agg_call(hp2, src3d, dst3d, zeros).reshape(2, _N, _H)

    batf = batch.astype(jnp.float32).reshape(_N, 1)
    out = pl.pallas_call(
        _pool_body,
        grid=(_NB,),
        in_specs=[
            pl.BlockSpec((1, _RB, _H), lambda i: (0, i, 0)),
            pl.BlockSpec((1, _RB, _H), lambda i: (1, i, 0)),
            pl.BlockSpec((_RB, _H), lambda i: (i, 0)),
            pl.BlockSpec((_RB, 1), lambda i: (i, 0)),
            pl.BlockSpec((1, _H), lambda i: (0, 0)),
            pl.BlockSpec((_RB, 1), lambda i: (i, 0)),
        ],
        out_specs=pl.BlockSpec((_G, _H), lambda i: (0, 0)),
        out_shape=jax.ShapeDtypeStruct((_G, _H), jnp.float32),
        scratch_shapes=[
            pltpu.VMEM((_G, _H), jnp.float32),
            pltpu.VMEM((_G, 1), jnp.float32),
        ],
    )(agg2, agg2, hp2, s, b2.reshape(1, _H), batf)
    return out

# --- scband reference (transcript-rebuilt; emitter-appended) ---
"""Pipeline reference for scband-graph-level-gcn-58171037057469 (READ-ONLY COPY).

The authoritative reference and input builder live on the scoring server;
editing this copy changes nothing except your own understanding.
"""

import jax, jax.numpy as jnp
import numpy as np

N = 10000   # nodes
E = 320000  # edges
D = 128     # input feature dim
H = 128     # hidden dim
G = 64      # graphs in the batch


def setup_inputs(seed: int = 0) -> dict:
    key = jax.random.key(seed)
    k1, k2, k3, k4, k5, k6, k7 = jax.random.split(key, 7)
    x = jax.random.normal(k1, (N, D), dtype=jnp.float32)
    edge_index = jax.random.randint(k2, (2, E), 0, N, dtype=jnp.int32)
    batch = jnp.sort(jax.random.randint(k3, (N,), 0, G, dtype=jnp.int32))
    # GCN parameters (layer 1: D->H, layer 2: H->H as in torch_geometric.nn.models.GCN)
    W1 = jax.random.normal(k4, (D, H), dtype=jnp.float32) * (1.0 / np.sqrt(D))
    b1 = jnp.zeros((H,), dtype=jnp.float32)
    W2 = jax.random.normal(k5, (H, H), dtype=jnp.float32) * (1.0 / np.sqrt(H))
    b2 = jnp.zeros((H,), dtype=jnp.float32)
    return {"x": x, "edge_index": edge_index, "batch": batch,
            "W1": W1, "b1": b1, "W2": W2, "b2": b2}


def _gcn_conv(x, edge_index, W, b):
    # GCNConv with self-loops and symmetric normalization: D^-1/2 (A+I) D^-1/2 X W + b
    loop = jnp.arange(N, dtype=edge_index.dtype)
    src = jnp.concatenate([edge_index[0], loop])
    dst = jnp.concatenate([edge_index[1], loop])
    ones = jnp.ones(src.shape[0], dtype=x.dtype)
    deg = jax.ops.segment_sum(ones, dst, num_segments=N)
    dinv = jnp.where(deg > 0, jax.lax.rsqrt(jnp.maximum(deg, 1e-12)), 0.0)
    norm = dinv[src] * dinv[dst]
    h = x @ W                      # transform first (same math as PyG)
    msg = h[src] * norm[:, None]   # gather + scale
    out = jax.ops.segment_sum(msg, dst, num_segments=N)  # scatter-add
    return out + b


def reference(x, edge_index, batch, W1, b1, W2, b2):
    # 2-layer GCN (ReLU between layers, dropout is a no-op in eval)
    h = jax.nn.relu(_gcn_conv(x, edge_index, W1, b1))
    h = _gcn_conv(h, edge_index, W2, b2)
    # global_mean_pool over graph ids
    counts = jax.ops.segment_sum(jnp.ones((N,), dtype=h.dtype), batch, num_segments=G)
    sums = jax.ops.segment_sum(h, batch, num_segments=G)
    return sums / jnp.maximum(counts, 1.0)[:, None]

if __name__ == "__main__":
    import jax
    _d = setup_inputs()
    print(jax.jit(kernel)(*tuple(_d.values())))

</pallas_src>

<mosaic_0001>
#map = affine_map<(d0, d1) -> (0, 0, 0)>
#map1 = affine_map<(d0, d1) -> (0)>
module attributes {stable_mosaic.version = 14 : i64} {
  func.func @_deg_call(%arg0: i32, %arg1: i32, %arg2: memref<32x125x80xi32, #tpu.memory_space<hbm>>, %arg3: memref<20000xf32, #tpu.memory_space<hbm>>, %arg4: memref<125x80xi32, #tpu.memory_space<vmem>>, %arg5: memref<80xf32, #tpu.memory_space<vmem>>, %arg6: memref<10000xf32, #tpu.memory_space<vmem>>, %arg7: memref<10000xf32, #tpu.memory_space<vmem_shared>>) attributes {dimension_semantics = [#tpu.dimension_semantics<core_parallel>, #tpu.dimension_semantics<subcore_parallel>], iteration_bounds = array<i64: 2, 16>, scalar_prefetch = 0 : i64, scratch_operands = 4 : i64, tpu.core_type = #tpu.core_type<sc_vector_subcore>, window_params = [{transform_indices = #map}, {transform_indices = #map1}]} {
    %mul3A = arith.constant 2 : i32
    %mul3A_0 = arith.muli %arg1, %mul3A : i32
    %add3A = arith.addi %mul3A_0, %arg0 : i32
    "tpu.region"() ({
      %run_scoped3A = tpu.sem_alloc : memref<!tpu.dma_semaphore, #tpu.memory_space<semaphore_mem>>
      %dma_start3A = arith.constant 0 : i32
      %dma_start3A_20 = arith.constant 0 : i32
      %dma_start3A_21 = tpu.memref_slice %arg2[%add3A, %dma_start3A, %dma_start3A_20] : memref<32x125x80xi32, #tpu.memory_space<hbm>> -> memref<1x125x80xi32, #tpu.memory_space<hbm>>
      %dma_start3A_22 = tpu.memref_squeeze %dma_start3A_21 : memref<1x125x80xi32, #tpu.memory_space<hbm>> -> memref<125x80xi32, #tpu.memory_space<hbm>>
      %dma_start3A_23 = arith.constant 0 : i32
      %dma_start3A_24 = arith.constant 0 : i32
      %dma_start3A_25 = tpu.memref_slice %arg2[%add3A, %dma_start3A_23, %dma_start3A_24] : memref<32x125x80xi32, #tpu.memory_space<hbm>> -> memref<1x125x80xi32, #tpu.memory_space<hbm>>
      %dma_start3A_26 = tpu.memref_squeeze %dma_start3A_25 : memref<1x125x80xi32, #tpu.memory_space<hbm>> -> memref<125x80xi32, #tpu.memory_space<hbm>>
      tpu.enqueue_dma source(%dma_start3A_26 : memref<125x80xi32, #tpu.memory_space<hbm>>) target(%arg4 : memref<125x80xi32, #tpu.memory_space<vmem>>) target_semaphore(%run_scoped3A : memref<!tpu.dma_semaphore, #tpu.memory_space<semaphore_mem>>)
      %dma_wait3A = arith.constant 0 : i32
      %dma_wait3A_27 = arith.constant 0 : i32
      %dma_wait3A_28 = tpu.memref_slice %arg2[%add3A, %dma_wait3A, %dma_wait3A_27] : memref<32x125x80xi32, #tpu.memory_space<hbm>> -> memref<1x125x80xi32, #tpu.memory_space<hbm>>
      %dma_wait3A_29 = tpu.memref_squeeze %dma_wait3A_28 : memref<1x125x80xi32, #tpu.memory_space<hbm>> -> memref<125x80xi32, #tpu.memory_space<hbm>>
      %dma_wait3A_30 = arith.constant 0 : i32
      %dma_wait3A_31 = arith.constant 0 : i32
      %dma_wait3A_32 = tpu.memref_slice %arg2[%add3A, %dma_wait3A_30, %dma_wait3A_31] : memref<32x125x80xi32, #tpu.memory_space<hbm>> -> memref<1x125x80xi32, #tpu.memory_space<hbm>>
      %dma_wait3A_33 = tpu.memref_squeeze %dma_wait3A_32 : memref<1x125x80xi32, #tpu.memory_space<hbm>> -> memref<125x80xi32, #tpu.memory_space<hbm>>
      tpu.wait_dma2 semaphore(%run_scoped3A : memref<!tpu.dma_semaphore, #tpu.memory_space<semaphore_mem>>) src(%dma_wait3A_33 : memref<125x80xi32, #tpu.memory_space<hbm>>) dst(%arg4 : memref<125x80xi32, #tpu.memory_space<vmem>>)
      tpu.yield
    }) : () -> ()
    %scan3A = arith.constant 0 : i32
    %scan3A_1 = arith.constant 0 : i32
    %scan3A_2 = arith.constant 5 : i32
    %scan3A_3 = arith.addi %scan3A_1, %scan3A_2 : i32
    %scan3A_4 = arith.constant 1 : i32
    scf.for %scan3A_20 = %scan3A_1 to %scan3A_3 step %scan3A_4  : i32 {
      %broadcast_in_dim3A = arith.constant 1.000000e+00 : f32
      %broadcast_in_dim3A_21 = vector.broadcast %broadcast_in_dim3A : f32 to vector<16xf32>
      %mul3A_22 = arith.constant 16 : i32
      %mul3A_23 = arith.muli %scan3A_20, %mul3A_22 : i32
      %swap3A = arith.index_cast %mul3A_23 : i32 to index
      %swap3A_24 = tpu.vector_load %arg5[%swap3A] {strides = array<i32>} : memref<80xf32, #tpu.memory_space<vmem>>, vector<16xf32>,
      %swap3A_25 = vector.shape_cast %swap3A_24 : vector<16xf32> to vector<16xf32>
      %swap3A_26 = vector.shape_cast %broadcast_in_dim3A_21 : vector<16xf32> to vector<16xf32>
      tpu.vector_store %arg5[%swap3A], %swap3A_26 {strides = array<i32>} : memref<80xf32, #tpu.memory_space<vmem>>, vector<16xf32>,
    }
    %scan3A_5 = arith.constant 5 : i32
    %eq3A = arith.constant 0 : i32
    %eq3A_6 = arith.cmpi eq, %arg1, %eq3A : i32
    %convert_element_type3A = arith.extui %eq3A_6 : i1 to i32
    %cond3A = arith.constant 0 : i32
    %cond3A_7 = arith.cmpi ne, %convert_element_type3A, %cond3A : i32
    scf.if %cond3A_7 {
      %scan3A_20 = arith.constant 0 : i32
      %scan3A_21 = arith.constant 0 : i32
      %scan3A_22 = arith.constant 625 : i32
      %scan3A_23 = arith.addi %scan3A_21, %scan3A_22 : i32
      %scan3A_24 = arith.constant 1 : i32
      scf.for %scan3A_26 = %scan3A_21 to %scan3A_23 step %scan3A_24  : i32 {
        %broadcast_in_dim3A = arith.constant 0.000000e+00 : f32
        %broadcast_in_dim3A_27 = vector.broadcast %broadcast_in_dim3A : f32 to vector<16xf32>
        %mul3A_28 = arith.constant 16 : i32
        %mul3A_29 = arith.muli %scan3A_26, %mul3A_28 : i32
        %swap3A = arith.index_cast %mul3A_29 : i32 to index
        %swap3A_30 = tpu.vector_load %arg6[%swap3A] {strides = array<i32>} : memref<10000xf32, #tpu.memory_space<vmem>>, vector<16xf32>,
        %swap3A_31 = vector.shape_cast %swap3A_30 : vector<16xf32> to vector<16xf32>
        %swap3A_32 = vector.shape_cast %broadcast_in_dim3A_27 : vector<16xf32> to vector<16xf32>
        tpu.vector_store %arg6[%swap3A], %swap3A_32 {strides = array<i32>} : memref<10000xf32, #tpu.memory_space<vmem>>, vector<16xf32>,
      }
      %scan3A_25 = arith.constant 625 : i32
      "tpu.region"() ({
        %run_scoped3A = tpu.sem_alloc : memref<!tpu.dma_semaphore, #tpu.memory_space<semaphore_mem>>
        tpu.enqueue_dma source(%arg6 : memref<10000xf32, #tpu.memory_space<vmem>>) target(%arg7 : memref<10000xf32, #tpu.memory_space<vmem_shared>>) target_semaphore(%run_scoped3A : memref<!tpu.dma_semaphore, #tpu.memory_space<semaphore_mem>>)
        tpu.wait_dma2 semaphore(%run_scoped3A : memref<!tpu.dma_semaphore, #tpu.memory_space<semaphore_mem>>) src(%arg6 : memref<10000xf32, #tpu.memory_space<vmem>>) dst(%arg7 : memref<10000xf32, #tpu.memory_space<vmem_shared>>)
        tpu.yield
      }) : () -> ()
    } else {
    }
    %barrier3A = arith.constant 0 : index
    tpu.barrier barrier_id(%barrier3A)
    %scan3A_8 = arith.constant 0 : i32
    %scan3A_9 = arith.constant 0 : i32
    %scan3A_10 = arith.constant 125 : i32
    %scan3A_11 = arith.addi %scan3A_9, %scan3A_10 : i32
    %scan3A_12 = arith.constant 1 : i32
    scf.for %scan3A_20 = %scan3A_9 to %scan3A_11 step %scan3A_12  : i32 {
      "tpu.region"() ({
        %run_scoped3A = tpu.sem_alloc : memref<!tpu.dma_semaphore, #tpu.memory_space<semaphore_mem>>
        %dma_start3A = arith.constant 0 : i32
        %dma_start3A_21 = tpu.memref_slice %arg4[%scan3A_20, %dma_start3A] : memref<125x80xi32, #tpu.memory_space<vmem>> -> memref<1x80xi32, #tpu.memory_space<vmem>>
        %dma_start3A_22 = tpu.memref_squeeze %dma_start3A_21 : memref<1x80xi32, #tpu.memory_space<vmem>> -> memref<80xi32, #tpu.memory_space<vmem>>
        %dma_start3A_23 = arith.constant 0 : i32
        %dma_start3A_24 = tpu.memref_slice %arg7[%dma_start3A_23] : memref<10000xf32, #tpu.memory_space<vmem_shared>> -> memref<10000xf32, #tpu.memory_space<vmem_shared>>
        tpu.enqueue_indirect_dma source(%arg5 : memref<80xf32, #tpu.memory_space<vmem>>) target(%dma_start3A_24 : memref<10000xf32, #tpu.memory_space<vmem_shared>>) offsets(%dma_start3A_22 : memref<80xi32, #tpu.memory_space<vmem>>) semaphore(%run_scoped3A : memref<!tpu.dma_semaphore, #tpu.memory_space<semaphore_mem>>) {add = true}
        %dma_wait3A = arith.constant 0 : i32
        %dma_wait3A_25 = tpu.memref_slice %arg4[%scan3A_20, %dma_wait3A] : memref<125x80xi32, #tpu.memory_space<vmem>> -> memref<1x80xi32, #tpu.memory_space<vmem>>
        %dma_wait3A_26 = tpu.memref_squeeze %dma_wait3A_25 : memref<1x80xi32, #tpu.memory_space<vmem>> -> memref<80xi32, #tpu.memory_space<vmem>>
        %dma_wait3A_27 = arith.constant 0 : i32
        %dma_wait3A_28 = tpu.memref_slice %arg7[%dma_wait3A_27] : memref<10000xf32, #tpu.memory_space<vmem_shared>> -> memref<10000xf32, #tpu.memory_space<vmem_shared>>
        tpu.wait_indirect_dma semaphore(%run_scoped3A : memref<!tpu.dma_semaphore, #tpu.memory_space<semaphore_mem>>) src(%arg5 : memref<80xf32, #tpu.memory_space<vmem>>) dst(%dma_wait3A_28 : memref<10000xf32, #tpu.memory_space<vmem_shared>>)
        tpu.yield
      }) : () -> ()
    }
    %scan3A_13 = arith.constant 125 : i32
    %barrier3A_14 = arith.constant 0 : index
    tpu.barrier barrier_id(%barrier3A_14)
    %eq3A_15 = arith.constant 0 : i32
    %eq3A_16 = arith.cmpi eq, %arg1, %eq3A_15 : i32
    %convert_element_type3A_17 = arith.extui %eq3A_16 : i1 to i32
    %cond3A_18 = arith.constant 0 : i32
    %cond3A_19 = arith.cmpi ne, %convert_element_type3A_17, %cond3A_18 : i32
    scf.if %cond3A_19 {
      "tpu.region"() ({
        %run_scoped3A = tpu.sem_alloc : memref<!tpu.dma_semaphore, #tpu.memory_space<semaphore_mem>>
        tpu.enqueue_dma source(%arg7 : memref<10000xf32, #tpu.memory_space<vmem_shared>>) target(%arg6 : memref<10000xf32, #tpu.memory_space<vmem>>) target_semaphore(%run_scoped3A : memref<!tpu.dma_semaphore, #tpu.memory_space<semaphore_mem>>)
        tpu.wait_dma2 semaphore(%run_scoped3A : memref<!tpu.dma_semaphore, #tpu.memory_space<semaphore_mem>>) src(%arg7 : memref<10000xf32, #tpu.memory_space<vmem_shared>>) dst(%arg6 : memref<10000xf32, #tpu.memory_space<vmem>>)
        tpu.yield
      }) : () -> ()
      %mul3A_20 = arith.constant 10000 : i32
      %mul3A_21 = arith.muli %arg0, %mul3A_20 : i32
      "tpu.region"() ({
        %run_scoped3A = tpu.sem_alloc : memref<!tpu.dma_semaphore, #tpu.memory_space<semaphore_mem>>
        %dma_start3A = tpu.memref_slice %arg3[%mul3A_21] : memref<20000xf32, #tpu.memory_space<hbm>> -> memref<10000xf32, #tpu.memory_space<hbm>>
        %dma_start3A_22 = tpu.memref_slice %arg3[%mul3A_21] : memref<20000xf32, #tpu.memory_space<hbm>> -> memref<10000xf32, #tpu.memory_space<hbm>>
        tpu.enqueue_dma source(%arg6 : memref<10000xf32, #tpu.memory_space<vmem>>) target(%dma_start3A_22 : memref<10000xf32, #tpu.memory_space<hbm>>) target_semaphore(%run_scoped3A : memref<!tpu.dma_semaphore, #tpu.memory_space<semaphore_mem>>)
        %dma_wait3A = tpu.memref_slice %arg3[%mul3A_21] : memref<20000xf32, #tpu.memory_space<hbm>> -> memref<10000xf32, #tpu.memory_space<hbm>>
        %dma_wait3A_23 = tpu.memref_slice %arg3[%mul3A_21] : memref<20000xf32, #tpu.memory_space<hbm>> -> memref<10000xf32, #tpu.memory_space<hbm>>
        tpu.wait_dma2 semaphore(%run_scoped3A : memref<!tpu.dma_semaphore, #tpu.memory_space<semaphore_mem>>) src(%arg6 : memref<10000xf32, #tpu.memory_space<vmem>>) dst(%dma_wait3A_23 : memref<10000xf32, #tpu.memory_space<hbm>>)
        tpu.yield
      }) : () -> ()
    } else {
    }
    return
  }
}

#map = affine_map<(d0, d1) -> (0, 0)>
#map1 = affine_map<(d0, d1) -> (0, 0, 0)>
module attributes {stable_mosaic.version = 14 : i64} {
  func.func @_agg_call(%arg0: i32, %arg1: i32, %arg2: memref<10000x128xf32, #tpu.memory_space<hbm>>, %arg3: memref<32x125x80xi32, #tpu.memory_space<hbm>>, %arg4: memref<32x125x80xi32, #tpu.memory_space<hbm>>, %arg5: memref<10000x128xf32, #tpu.memory_space<hbm>>, %arg6: memref<20000x128xf32, #tpu.memory_space<hbm>>, %arg7: memref<125x80xi32, #tpu.memory_space<vmem>>, %arg8: memref<125x80xi32, #tpu.memory_space<vmem>>, %arg9: memref<80x128xf32, #tpu.memory_space<vmem>>, %arg10: memref<10000x128xf32, #tpu.memory_space<vmem_shared>>, %arg11: memref<!tpu.dma_semaphore, #tpu.memory_space<semaphore_mem>>) attributes {dimension_semantics = [#tpu.dimension_semantics<core_parallel>, #tpu.dimension_semantics<subcore_parallel>], iteration_bounds = array<i64: 2, 16>, scalar_prefetch = 0 : i64, scratch_operands = 5 : i64, tpu.core_type = #tpu.core_type<sc_vector_subcore>, window_params = [{transform_indices = #map}, {transform_indices = #map1}, {transform_indices = #map1}, {transform_indices = #map}, {transform_indices = #map}]} {
    %mul3A = arith.constant 2 : i32
    %mul3A_0 = arith.muli %arg1, %mul3A : i32
    %add3A = arith.addi %mul3A_0, %arg0 : i32
    "tpu.region"() ({
      %run_scoped3A = tpu.sem_alloc : memref<!tpu.dma_semaphore, #tpu.memory_space<semaphore_mem>>
      %dma_start3A = arith.constant 0 : i32
      %dma_start3A_25 = arith.constant 0 : i32
      %dma_start3A_26 = tpu.memref_slice %arg3[%add3A, %dma_start3A, %dma_start3A_25] : memref<32x125x80xi32, #tpu.memory_space<hbm>> -> memref<1x125x80xi32, #tpu.memory_space<hbm>>
      %dma_start3A_27 = tpu.memref_squeeze %dma_start3A_26 : memref<1x125x80xi32, #tpu.memory_space<hbm>> -> memref<125x80xi32, #tpu.memory_space<hbm>>
      %dma_start3A_28 = arith.constant 0 : i32
      %dma_start3A_29 = arith.constant 0 : i32
      %dma_start3A_30 = tpu.memref_slice %arg3[%add3A, %dma_start3A_28, %dma_start3A_29] : memref<32x125x80xi32, #tpu.memory_space<hbm>> -> memref<1x125x80xi32, #tpu.memory_space<hbm>>
      %dma_start3A_31 = tpu.memref_squeeze %dma_start3A_30 : memref<1x125x80xi32, #tpu.memory_space<hbm>> -> memref<125x80xi32, #tpu.memory_space<hbm>>
      tpu.enqueue_dma source(%dma_start3A_31 : memref<125x80xi32, #tpu.memory_space<hbm>>) target(%arg7 : memref<125x80xi32, #tpu.memory_space<vmem>>) target_semaphore(%run_scoped3A : memref<!tpu.dma_semaphore, #tpu.memory_space<semaphore_mem>>)
      %dma_wait3A = arith.constant 0 : i32
      %dma_wait3A_32 = arith.constant 0 : i32
      %dma_wait3A_33 = tpu.memref_slice %arg3[%add3A, %dma_wait3A, %dma_wait3A_32] : memref<32x125x80xi32, #tpu.memory_space<hbm>> -> memref<1x125x80xi32, #tpu.memory_space<hbm>>
      %dma_wait3A_34 = tpu.memref_squeeze %dma_wait3A_33 : memref<1x125x80xi32, #tpu.memory_space<hbm>> -> memref<125x80xi32, #tpu.memory_space<hbm>>
      %dma_wait3A_35 = arith.constant 0 : i32
      %dma_wait3A_36 = arith.constant 0 : i32
      %dma_wait3A_37 = tpu.memref_slice %arg3[%add3A, %dma_wait3A_35, %dma_wait3A_36] : memref<32x125x80xi32, #tpu.memory_space<hbm>> -> memref<1x125x80xi32, #tpu.memory_space<hbm>>
      %dma_wait3A_38 = tpu.memref_squeeze %dma_wait3A_37 : memref<1x125x80xi32, #tpu.memory_space<hbm>> -> memref<125x80xi32, #tpu.memory_space<hbm>>
      tpu.wait_dma2 semaphore(%run_scoped3A : memref<!tpu.dma_semaphore, #tpu.memory_space<semaphore_mem>>) src(%dma_wait3A_38 : memref<125x80xi32, #tpu.memory_space<hbm>>) dst(%arg7 : memref<125x80xi32, #tpu.memory_space<vmem>>)
      tpu.yield
    }) : () -> ()
    "tpu.region"() ({
      %run_scoped3A = tpu.sem_alloc : memref<!tpu.dma_semaphore, #tpu.memory_space<semaphore_mem>>
      %dma_start3A = arith.constant 0 : i32
      %dma_start3A_25 = arith.constant 0 : i32
      %dma_start3A_26 = tpu.memref_slice %arg4[%add3A, %dma_start3A, %dma_start3A_25] : memref<32x125x80xi32, #tpu.memory_space<hbm>> -> memref<1x125x80xi32, #tpu.memory_space<hbm>>
      %dma_start3A_27 = tpu.memref_squeeze %dma_start3A_26 : memref<1x125x80xi32, #tpu.memory_space<hbm>> -> memref<125x80xi32, #tpu.memory_space<hbm>>
      %dma_start3A_28 = arith.constant 0 : i32
      %dma_start3A_29 = arith.constant 0 : i32
      %dma_start3A_30 = tpu.memref_slice %arg4[%add3A, %dma_start3A_28, %dma_start3A_29] : memref<32x125x80xi32, #tpu.memory_space<hbm>> -> memref<1x125x80xi32, #tpu.memory_space<hbm>>
      %dma_start3A_31 = tpu.memref_squeeze %dma_start3A_30 : memref<1x125x80xi32, #tpu.memory_space<hbm>> -> memref<125x80xi32, #tpu.memory_space<hbm>>
      tpu.enqueue_dma source(%dma_start3A_31 : memref<125x80xi32, #tpu.memory_space<hbm>>) target(%arg8 : memref<125x80xi32, #tpu.memory_space<vmem>>) target_semaphore(%run_scoped3A : memref<!tpu.dma_semaphore, #tpu.memory_space<semaphore_mem>>)
      %dma_wait3A = arith.constant 0 : i32
      %dma_wait3A_32 = arith.constant 0 : i32
      %dma_wait3A_33 = tpu.memref_slice %arg4[%add3A, %dma_wait3A, %dma_wait3A_32] : memref<32x125x80xi32, #tpu.memory_space<hbm>> -> memref<1x125x80xi32, #tpu.memory_space<hbm>>
      %dma_wait3A_34 = tpu.memref_squeeze %dma_wait3A_33 : memref<1x125x80xi32, #tpu.memory_space<hbm>> -> memref<125x80xi32, #tpu.memory_space<hbm>>
      %dma_wait3A_35 = arith.constant 0 : i32
      %dma_wait3A_36 = arith.constant 0 : i32
      %dma_wait3A_37 = tpu.memref_slice %arg4[%add3A, %dma_wait3A_35, %dma_wait3A_36] : memref<32x125x80xi32, #tpu.memory_space<hbm>> -> memref<1x125x80xi32, #tpu.memory_space<hbm>>
      %dma_wait3A_38 = tpu.memref_squeeze %dma_wait3A_37 : memref<1x125x80xi32, #tpu.memory_space<hbm>> -> memref<125x80xi32, #tpu.memory_space<hbm>>
      tpu.wait_dma2 semaphore(%run_scoped3A : memref<!tpu.dma_semaphore, #tpu.memory_space<semaphore_mem>>) src(%dma_wait3A_38 : memref<125x80xi32, #tpu.memory_space<hbm>>) dst(%arg8 : memref<125x80xi32, #tpu.memory_space<vmem>>)
      tpu.yield
    }) : () -> ()
    %mul3A_1 = arith.constant 624 : i32
    %mul3A_2 = arith.muli %arg1, %mul3A_1 : i32
    %mul3A_3 = arith.constant 624 : i32
    %mul3A_4 = arith.muli %arg1, %mul3A_3 : i32
    "tpu.region"() ({
      %run_scoped3A = tpu.sem_alloc : memref<!tpu.dma_semaphore, #tpu.memory_space<semaphore_mem>>
      %dma_start3A = arith.constant 0 : i32
      %dma_start3A_25 = tpu.memref_slice %arg10[%mul3A_4, %dma_start3A] : memref<10000x128xf32, #tpu.memory_space<vmem_shared>> -> memref<624x128xf32, #tpu.memory_space<vmem_shared>>
      %dma_start3A_26 = arith.constant 0 : i32
      %dma_start3A_27 = tpu.memref_slice %arg5[%mul3A_2, %dma_start3A_26] : memref<10000x128xf32, #tpu.memory_space<hbm>> -> memref<624x128xf32, #tpu.memory_space<hbm>>
      tpu.enqueue_dma source(%dma_start3A_27 : memref<624x128xf32, #tpu.memory_space<hbm>>) target(%dma_start3A_25 : memref<624x128xf32, #tpu.memory_space<vmem_shared>>) target_semaphore(%run_scoped3A : memref<!tpu.dma_semaphore, #tpu.memory_space<semaphore_mem>>)
      %dma_wait3A = arith.constant 0 : i32
      %dma_wait3A_28 = tpu.memref_slice %arg10[%mul3A_4, %dma_wait3A] : memref<10000x128xf32, #tpu.memory_space<vmem_shared>> -> memref<624x128xf32, #tpu.memory_space<vmem_shared>>
      %dma_wait3A_29 = arith.constant 0 : i32
      %dma_wait3A_30 = tpu.memref_slice %arg5[%mul3A_2, %dma_wait3A_29] : memref<10000x128xf32, #tpu.memory_space<hbm>> -> memref<624x128xf32, #tpu.memory_space<hbm>>
      tpu.wait_dma2 semaphore(%run_scoped3A : memref<!tpu.dma_semaphore, #tpu.memory_space<semaphore_mem>>) src(%dma_wait3A_30 : memref<624x128xf32, #tpu.memory_space<hbm>>) dst(%dma_wait3A_28 : memref<624x128xf32, #tpu.memory_space<vmem_shared>>)
      tpu.yield
    }) : () -> ()
    %eq3A = arith.constant 0 : i32
    %eq3A_5 = arith.cmpi eq, %arg1, %eq3A : i32
    %convert_element_type3A = arith.extui %eq3A_5 : i1 to i32
    %cond3A = arith.constant 0 : i32
    %cond3A_6 = arith.cmpi ne, %convert_element_type3A, %cond3A : i32
    scf.if %cond3A_6 {
      "tpu.region"() ({
        %run_scoped3A = tpu.sem_alloc : memref<!tpu.dma_semaphore, #tpu.memory_space<semaphore_mem>>
        %dma_start3A = arith.constant 9984 : i32
        %dma_start3A_25 = arith.constant 0 : i32
        %dma_start3A_26 = tpu.memref_slice %arg10[%dma_start3A, %dma_start3A_25] : memref<10000x128xf32, #tpu.memory_space<vmem_shared>> -> memref<16x128xf32, #tpu.memory_space<vmem_shared>>
        %dma_start3A_27 = arith.constant 9984 : i32
        %dma_start3A_28 = arith.constant 0 : i32
        %dma_start3A_29 = tpu.memref_slice %arg5[%dma_start3A_27, %dma_start3A_28] : memref<10000x128xf32, #tpu.memory_space<hbm>> -> memref<16x128xf32, #tpu.memory_space<hbm>>
        tpu.enqueue_dma source(%dma_start3A_29 : memref<16x128xf32, #tpu.memory_space<hbm>>) target(%dma_start3A_26 : memref<16x128xf32, #tpu.memory_space<vmem_shared>>) target_semaphore(%run_scoped3A : memref<!tpu.dma_semaphore, #tpu.memory_space<semaphore_mem>>)
        %dma_wait3A = arith.constant 9984 : i32
        %dma_wait3A_30 = arith.constant 0 : i32
        %dma_wait3A_31 = tpu.memref_slice %arg10[%dma_wait3A, %dma_wait3A_30] : memref<10000x128xf32, #tpu.memory_space<vmem_shared>> -> memref<16x128xf32, #tpu.memory_space<vmem_shared>>
        %dma_wait3A_32 = arith.constant 9984 : i32
        %dma_wait3A_33 = arith.constant 0 : i32
        %dma_wait3A_34 = tpu.memref_slice %arg5[%dma_wait3A_32, %dma_wait3A_33] : memref<10000x128xf32, #tpu.memory_space<hbm>> -> memref<16x128xf32, #tpu.memory_space<hbm>>
        tpu.wait_dma2 semaphore(%run_scoped3A : memref<!tpu.dma_semaphore, #tpu.memory_space<semaphore_mem>>) src(%dma_wait3A_34 : memref<16x128xf32, #tpu.memory_space<hbm>>) dst(%dma_wait3A_31 : memref<16x128xf32, #tpu.memory_space<vmem_shared>>)
        tpu.yield
      }) : () -> ()
    } else {
    }
    %barrier3A = arith.constant 0 : index
    tpu.barrier barrier_id(%barrier3A)
    %scan3A = arith.constant 0 : i32
    %scan3A_7 = arith.constant 0 : i32
    %scan3A_8 = arith.constant 125 : i32
    %scan3A_9 = arith.addi %scan3A_7, %scan3A_8 : i32
    %scan3A_10 = arith.constant 1 : i32
    scf.for %scan3A_25 = %scan3A_7 to %scan3A_9 step %scan3A_10  : i32 {
      %dma_start3A = arith.constant 0 : i32
      %dma_start3A_26 = tpu.memref_slice %arg7[%scan3A_25, %dma_start3A] : memref<125x80xi32, #tpu.memory_space<vmem>> -> memref<1x80xi32, #tpu.memory_space<vmem>>
      %dma_start3A_27 = tpu.memref_squeeze %dma_start3A_26 : memref<1x80xi32, #tpu.memory_space<vmem>> -> memref<80xi32, #tpu.memory_space<vmem>>
      %dma_start3A_28 = arith.constant 0 : i32
      %dma_start3A_29 = arith.constant 0 : i32
      %dma_start3A_30 = tpu.memref_slice %arg2[%dma_start3A_28, %dma_start3A_29] : memref<10000x128xf32, #tpu.memory_space<hbm>> -> memref<10000x128xf32, #tpu.memory_space<hbm>>
      tpu.enqueue_indirect_dma source(%dma_start3A_30 : memref<10000x128xf32, #tpu.memory_space<hbm>>) target(%arg9 : memref<80x128xf32, #tpu.memory_space<vmem>>) offsets(%dma_start3A_27 : memref<80xi32, #tpu.memory_space<vmem>>) semaphore(%arg11 : memref<!tpu.dma_semaphore, #tpu.memory_space<semaphore_mem>>)
      %dma_wait3A = arith.constant 0 : i32
      %dma_wait3A_31 = tpu.memref_slice %arg7[%scan3A_25, %dma_wait3A] : memref<125x80xi32, #tpu.memory_space<vmem>> -> memref<1x80xi32, #tpu.memory_space<vmem>>
      %dma_wait3A_32 = tpu.memref_squeeze %dma_wait3A_31 : memref<1x80xi32, #tpu.memory_space<vmem>> -> memref<80xi32, #tpu.memory_space<vmem>>
      %dma_wait3A_33 = arith.constant 0 : i32
      %dma_wait3A_34 = arith.constant 0 : i32
      %dma_wait3A_35 = tpu.memref_slice %arg2[%dma_wait3A_33, %dma_wait3A_34] : memref<10000x128xf32, #tpu.memory_space<hbm>> -> memref<10000x128xf32, #tpu.memory_space<hbm>>
      tpu.wait_indirect_dma semaphore(%arg11 : memref<!tpu.dma_semaphore, #tpu.memory_space<semaphore_mem>>) src(%dma_wait3A_35 : memref<10000x128xf32, #tpu.memory_space<hbm>>) dst(%arg9 : memref<80x128xf32, #tpu.memory_space<vmem>>)
      "tpu.region"() ({
        %run_scoped3A = tpu.sem_alloc : memref<!tpu.dma_semaphore, #tpu.memory_space<semaphore_mem>>
        %dma_start3A_36 = arith.constant 0 : i32
        %dma_start3A_37 = tpu.memref_slice %arg8[%scan3A_25, %dma_start3A_36] : memref<125x80xi32, #tpu.memory_space<vmem>> -> memref<1x80xi32, #tpu.memory_space<vmem>>
        %dma_start3A_38 = tpu.memref_squeeze %dma_start3A_37 : memref<1x80xi32, #tpu.memory_space<vmem>> -> memref<80xi32, #tpu.memory_space<vmem>>
        %dma_start3A_39 = arith.constant 0 : i32
        %dma_start3A_40 = arith.constant 0 : i32
        %dma_start3A_41 = tpu.memref_slice %arg10[%dma_start3A_39, %dma_start3A_40] : memref<10000x128xf32, #tpu.memory_space<vmem_shared>> -> memref<10000x128xf32, #tpu.memory_space<vmem_shared>>
        tpu.enqueue_indirect_dma source(%arg9 : memref<80x128xf32, #tpu.memory_space<vmem>>) target(%dma_start3A_41 : memref<10000x128xf32, #tpu.memory_space<vmem_shared>>) offsets(%dma_start3A_38 : memref<80xi32, #tpu.memory_space<vmem>>) semaphore(%run_scoped3A : memref<!tpu.dma_semaphore, #tpu.memory_space<semaphore_mem>>) {add = true}
        %dma_wait3A_42 = arith.constant 0 : i32
        %dma_wait3A_43 = tpu.memref_slice %arg8[%scan3A_25, %dma_wait3A_42] : memref<125x80xi32, #tpu.memory_space<vmem>> -> memref<1x80xi32, #tpu.memory_space<vmem>>
        %dma_wait3A_44 = tpu.memref_squeeze %dma_wait3A_43 : memref<1x80xi32, #tpu.memory_space<vmem>> -> memref<80xi32, #tpu.memory_space<vmem>>
        %dma_wait3A_45 = arith.constant 0 : i32
        %dma_wait3A_46 = arith.constant 0 : i32
        %dma_wait3A_47 = tpu.memref_slice %arg10[%dma_wait3A_45, %dma_wait3A_46] : memref<10000x128xf32, #tpu.memory_space<vmem_shared>> -> memref<10000x128xf32, #tpu.memory_space<vmem_shared>>
        tpu.wait_indirect_dma semaphore(%run_scoped3A : memref<!tpu.dma_semaphore, #tpu.memory_space<semaphore_mem>>) src(%arg9 : memref<80x128xf32, #tpu.memory_space<vmem>>) dst(%dma_wait3A_47 : memref<10000x128xf32, #tpu.memory_space<vmem_shared>>)
        tpu.yield
      }) : () -> ()
    }
    %scan3A_11 = arith.constant 125 : i32
    %barrier3A_12 = arith.constant 0 : index
    tpu.barrier barrier_id(%barrier3A_12)
    %mul3A_13 = arith.constant 624 : i32
    %mul3A_14 = arith.muli %arg1, %mul3A_13 : i32
    %mul3A_15 = arith.constant 10000 : i32
    %mul3A_16 = arith.muli %arg0, %mul3A_15 : i32
    %mul3A_17 = arith.constant 624 : i32
    %mul3A_18 = arith.muli %arg1, %mul3A_17 : i32
    %add3A_19 = arith.addi %mul3A_16, %mul3A_18 : i32
    "tpu.region"() ({
      %run_scoped3A = tpu.sem_alloc : memref<!tpu.dma_semaphore, #tpu.memory_space<semaphore_mem>>
      %dma_start3A = arith.constant 0 : i32
      %dma_start3A_25 = tpu.memref_slice %arg6[%add3A_19, %dma_start3A] : memref<20000x128xf32, #tpu.memory_space<hbm>> -> memref<624x128xf32, #tpu.memory_space<hbm>>
      %dma_start3A_26 = arith.constant 0 : i32
      %dma_start3A_27 = tpu.memref_slice %arg10[%mul3A_14, %dma_start3A_26] : memref<10000x128xf32, #tpu.memory_space<vmem_shared>> -> memref<624x128xf32, #tpu.memory_space<vmem_shared>>
      tpu.enqueue_dma source(%dma_start3A_27 : memref<624x128xf32, #tpu.memory_space<vmem_shared>>) target(%dma_start3A_25 : memref<624x128xf32, #tpu.memory_space<hbm>>) target_semaphore(%run_scoped3A : memref<!tpu.dma_semaphore, #tpu.memory_space<semaphore_mem>>)
      %dma_wait3A = arith.constant 0 : i32
      %dma_wait3A_28 = tpu.memref_slice %arg6[%add3A_19, %dma_wait3A] : memref<20000x128xf32, #tpu.memory_space<hbm>> -> memref<624x128xf32, #tpu.memory_space<hbm>>
      %dma_wait3A_29 = arith.constant 0 : i32
      %dma_wait3A_30 = tpu.memref_slice %arg10[%mul3A_14, %dma_wait3A_29] : memref<10000x128xf32, #tpu.memory_space<vmem_shared>> -> memref<624x128xf32, #tpu.memory_space<vmem_shared>>
      tpu.wait_dma2 semaphore(%run_scoped3A : memref<!tpu.dma_semaphore, #tpu.memory_space<semaphore_mem>>) src(%dma_wait3A_30 : memref<624x128xf32, #tpu.memory_space<vmem_shared>>) dst(%dma_wait3A_28 : memref<624x128xf32, #tpu.memory_space<hbm>>)
      tpu.yield
    }) : () -> ()
    %eq3A_20 = arith.constant 0 : i32
    %eq3A_21 = arith.cmpi eq, %arg1, %eq3A_20 : i32
    %convert_element_type3A_22 = arith.extui %eq3A_21 : i1 to i32
    %cond3A_23 = arith.constant 0 : i32
    %cond3A_24 = arith.cmpi ne, %convert_element_type3A_22, %cond3A_23 : i32
    scf.if %cond3A_24 {
      %mul3A_25 = arith.constant 10000 : i32
      %mul3A_26 = arith.muli %arg0, %mul3A_25 : i32
      %add3A_27 = arith.constant 9984 : i32
      %add3A_28 = arith.addi %mul3A_26, %add3A_27 : i32
      "tpu.region"() ({
        %run_scoped3A = tpu.sem_alloc : memref<!tpu.dma_semaphore, #tpu.memory_space<semaphore_mem>>
        %dma_start3A = arith.constant 0 : i32
        %dma_start3A_29 = tpu.memref_slice %arg6[%add3A_28, %dma_start3A] : memref<20000x128xf32, #tpu.memory_space<hbm>> -> memref<16x128xf32, #tpu.memory_space<hbm>>
        %dma_start3A_30 = arith.constant 9984 : i32
        %dma_start3A_31 = arith.constant 0 : i32
        %dma_start3A_32 = tpu.memref_slice %arg10[%dma_start3A_30, %dma_start3A_31] : memref<10000x128xf32, #tpu.memory_space<vmem_shared>> -> memref<16x128xf32, #tpu.memory_space<vmem_shared>>
        tpu.enqueue_dma source(%dma_start3A_32 : memref<16x128xf32, #tpu.memory_space<vmem_shared>>) target(%dma_start3A_29 : memref<16x128xf32, #tpu.memory_space<hbm>>) target_semaphore(%run_scoped3A : memref<!tpu.dma_semaphore, #tpu.memory_space<semaphore_mem>>)
        %dma_wait3A = arith.constant 0 : i32
        %dma_wait3A_33 = tpu.memref_slice %arg6[%add3A_28, %dma_wait3A] : memref<20000x128xf32, #tpu.memory_space<hbm>> -> memref<16x128xf32, #tpu.memory_space<hbm>>
        %dma_wait3A_34 = arith.constant 9984 : i32
        %dma_wait3A_35 = arith.constant 0 : i32
        %dma_wait3A_36 = tpu.memref_slice %arg10[%dma_wait3A_34, %dma_wait3A_35] : memref<10000x128xf32, #tpu.memory_space<vmem_shared>> -> memref<16x128xf32, #tpu.memory_space<vmem_shared>>
        tpu.wait_dma2 semaphore(%run_scoped3A : memref<!tpu.dma_semaphore, #tpu.memory_space<semaphore_mem>>) src(%dma_wait3A_36 : memref<16x128xf32, #tpu.memory_space<vmem_shared>>) dst(%dma_wait3A_33 : memref<16x128xf32, #tpu.memory_space<hbm>>)
        tpu.yield
      }) : () -> ()
    } else {
    }
    return
  }
}

#map = affine_map<(d0, d1) -> (0, 0)>
#map1 = affine_map<(d0, d1) -> (0, 0, 0)>
module attributes {stable_mosaic.version = 14 : i64} {
  func.func @_agg_call(%arg0: i32, %arg1: i32, %arg2: memref<10000x128xf32, #tpu.memory_space<hbm>>, %arg3: memref<32x125x80xi32, #tpu.memory_space<hbm>>, %arg4: memref<32x125x80xi32, #tpu.memory_space<hbm>>, %arg5: memref<10000x128xf32, #tpu.memory_space<hbm>>, %arg6: memref<20000x128xf32, #tpu.memory_space<hbm>>, %arg7: memref<125x80xi32, #tpu.memory_space<vmem>>, %arg8: memref<125x80xi32, #tpu.memory_space<vmem>>, %arg9: memref<80x128xf32, #tpu.memory_space<vmem>>, %arg10: memref<10000x128xf32, #tpu.memory_space<vmem_shared>>, %arg11: memref<!tpu.dma_semaphore, #tpu.memory_space<semaphore_mem>>) attributes {dimension_semantics = [#tpu.dimension_semantics<core_parallel>, #tpu.dimension_semantics<subcore_parallel>], iteration_bounds = array<i64: 2, 16>, scalar_prefetch = 0 : i64, scratch_operands = 5 : i64, tpu.core_type = #tpu.core_type<sc_vector_subcore>, window_params = [{transform_indices = #map}, {transform_indices = #map1}, {transform_indices = #map1}, {transform_indices = #map}, {transform_indices = #map}]} {
    %mul3A = arith.constant 2 : i32
    %mul3A_0 = arith.muli %arg1, %mul3A : i32
    %add3A = arith.addi %mul3A_0, %arg0 : i32
    "tpu.region"() ({
      %run_scoped3A = tpu.sem_alloc : memref<!tpu.dma_semaphore, #tpu.memory_space<semaphore_mem>>
      %dma_start3A = arith.constant 0 : i32
      %dma_start3A_25 = arith.constant 0 : i32
      %dma_start3A_26 = tpu.memref_slice %arg3[%add3A, %dma_start3A, %dma_start3A_25] : memref<32x125x80xi32, #tpu.memory_space<hbm>> -> memref<1x125x80xi32, #tpu.memory_space<hbm>>
      %dma_start3A_27 = tpu.memref_squeeze %dma_start3A_26 : memref<1x125x80xi32, #tpu.memory_space<hbm>> -> memref<125x80xi32, #tpu.memory_space<hbm>>
      %dma_start3A_28 = arith.constant 0 : i32
      %dma_start3A_29 = arith.constant 0 : i32
      %dma_start3A_30 = tpu.memref_slice %arg3[%add3A, %dma_start3A_28, %dma_start3A_29] : memref<32x125x80xi32, #tpu.memory_space<hbm>> -> memref<1x125x80xi32, #tpu.memory_space<hbm>>
      %dma_start3A_31 = tpu.memref_squeeze %dma_start3A_30 : memref<1x125x80xi32, #tpu.memory_space<hbm>> -> memref<125x80xi32, #tpu.memory_space<hbm>>
      tpu.enqueue_dma source(%dma_start3A_31 : memref<125x80xi32, #tpu.memory_space<hbm>>) target(%arg7 : memref<125x80xi32, #tpu.memory_space<vmem>>) target_semaphore(%run_scoped3A : memref<!tpu.dma_semaphore, #tpu.memory_space<semaphore_mem>>)
      %dma_wait3A = arith.constant 0 : i32
      %dma_wait3A_32 = arith.constant 0 : i32
      %dma_wait3A_33 = tpu.memref_slice %arg3[%add3A, %dma_wait3A, %dma_wait3A_32] : memref<32x125x80xi32, #tpu.memory_space<hbm>> -> memref<1x125x80xi32, #tpu.memory_space<hbm>>
      %dma_wait3A_34 = tpu.memref_squeeze %dma_wait3A_33 : memref<1x125x80xi32, #tpu.memory_space<hbm>> -> memref<125x80xi32, #tpu.memory_space<hbm>>
      %dma_wait3A_35 = arith.constant 0 : i32
      %dma_wait3A_36 = arith.constant 0 : i32
      %dma_wait3A_37 = tpu.memref_slice %arg3[%add3A, %dma_wait3A_35, %dma_wait3A_36] : memref<32x125x80xi32, #tpu.memory_space<hbm>> -> memref<1x125x80xi32, #tpu.memory_space<hbm>>
      %dma_wait3A_38 = tpu.memref_squeeze %dma_wait3A_37 : memref<1x125x80xi32, #tpu.memory_space<hbm>> -> memref<125x80xi32, #tpu.memory_space<hbm>>
      tpu.wait_dma2 semaphore(%run_scoped3A : memref<!tpu.dma_semaphore, #tpu.memory_space<semaphore_mem>>) src(%dma_wait3A_38 : memref<125x80xi32, #tpu.memory_space<hbm>>) dst(%arg7 : memref<125x80xi32, #tpu.memory_space<vmem>>)
      tpu.yield
    }) : () -> ()
    "tpu.region"() ({
      %run_scoped3A = tpu.sem_alloc : memref<!tpu.dma_semaphore, #tpu.memory_space<semaphore_mem>>
      %dma_start3A = arith.constant 0 : i32
      %dma_start3A_25 = arith.constant 0 : i32
      %dma_start3A_26 = tpu.memref_slice %arg4[%add3A, %dma_start3A, %dma_start3A_25] : memref<32x125x80xi32, #tpu.memory_space<hbm>> -> memref<1x125x80xi32, #tpu.memory_space<hbm>>
      %dma_start3A_27 = tpu.memref_squeeze %dma_start3A_26 : memref<1x125x80xi32, #tpu.memory_space<hbm>> -> memref<125x80xi32, #tpu.memory_space<hbm>>
      %dma_start3A_28 = arith.constant 0 : i32
      %dma_start3A_29 = arith.constant 0 : i32
      %dma_start3A_30 = tpu.memref_slice %arg4[%add3A, %dma_start3A_28, %dma_start3A_29] : memref<32x125x80xi32, #tpu.memory_space<hbm>> -> memref<1x125x80xi32, #tpu.memory_space<hbm>>
      %dma_start3A_31 = tpu.memref_squeeze %dma_start3A_30 : memref<1x125x80xi32, #tpu.memory_space<hbm>> -> memref<125x80xi32, #tpu.memory_space<hbm>>
      tpu.enqueue_dma source(%dma_start3A_31 : memref<125x80xi32, #tpu.memory_space<hbm>>) target(%arg8 : memref<125x80xi32, #tpu.memory_space<vmem>>) target_semaphore(%run_scoped3A : memref<!tpu.dma_semaphore, #tpu.memory_space<semaphore_mem>>)
      %dma_wait3A = arith.constant 0 : i32
      %dma_wait3A_32 = arith.constant 0 : i32
      %dma_wait3A_33 = tpu.memref_slice %arg4[%add3A, %dma_wait3A, %dma_wait3A_32] : memref<32x125x80xi32, #tpu.memory_space<hbm>> -> memref<1x125x80xi32, #tpu.memory_space<hbm>>
      %dma_wait3A_34 = tpu.memref_squeeze %dma_wait3A_33 : memref<1x125x80xi32, #tpu.memory_space<hbm>> -> memref<125x80xi32, #tpu.memory_space<hbm>>
      %dma_wait3A_35 = arith.constant 0 : i32
      %dma_wait3A_36 = arith.constant 0 : i32
      %dma_wait3A_37 = tpu.memref_slice %arg4[%add3A, %dma_wait3A_35, %dma_wait3A_36] : memref<32x125x80xi32, #tpu.memory_space<hbm>> -> memref<1x125x80xi32, #tpu.memory_space<hbm>>
      %dma_wait3A_38 = tpu.memref_squeeze %dma_wait3A_37 : memref<1x125x80xi32, #tpu.memory_space<hbm>> -> memref<125x80xi32, #tpu.memory_space<hbm>>
      tpu.wait_dma2 semaphore(%run_scoped3A : memref<!tpu.dma_semaphore, #tpu.memory_space<semaphore_mem>>) src(%dma_wait3A_38 : memref<125x80xi32, #tpu.memory_space<hbm>>) dst(%arg8 : memref<125x80xi32, #tpu.memory_space<vmem>>)
      tpu.yield
    }) : () -> ()
    %mul3A_1 = arith.constant 624 : i32
    %mul3A_2 = arith.muli %arg1, %mul3A_1 : i32
    %mul3A_3 = arith.constant 624 : i32
    %mul3A_4 = arith.muli %arg1, %mul3A_3 : i32
    "tpu.region"() ({
      %run_scoped3A = tpu.sem_alloc : memref<!tpu.dma_semaphore, #tpu.memory_space<semaphore_mem>>
      %dma_start3A = arith.constant 0 : i32
      %dma_start3A_25 = tpu.memref_slice %arg10[%mul3A_4, %dma_start3A] : memref<10000x128xf32, #tpu.memory_space<vmem_shared>> -> memref<624x128xf32, #tpu.memory_space<vmem_shared>>
      %dma_start3A_26 = arith.constant 0 : i32
      %dma_start3A_27 = tpu.memref_slice %arg5[%mul3A_2, %dma_start3A_26] : memref<10000x128xf32, #tpu.memory_space<hbm>> -> memref<624x128xf32, #tpu.memory_space<hbm>>
      tpu.enqueue_dma source(%dma_start3A_27 : memref<624x128xf32, #tpu.memory_space<hbm>>) target(%dma_start3A_25 : memref<624x128xf32, #tpu.memory_space<vmem_shared>>) target_semaphore(%run_scoped3A : memref<!tpu.dma_semaphore, #tpu.memory_space<semaphore_mem>>)
      %dma_wait3A = arith.constant 0 : i32
      %dma_wait3A_28 = tpu.memref_slice %arg10[%mul3A_4, %dma_wait3A] : memref<10000x128xf32, #tpu.memory_space<vmem_shared>> -> memref<624x128xf32, #tpu.memory_space<vmem_shared>>
      %dma_wait3A_29 = arith.constant 0 : i32
      %dma_wait3A_30 = tpu.memref_slice %arg5[%mul3A_2, %dma_wait3A_29] : memref<10000x128xf32, #tpu.memory_space<hbm>> -> memref<624x128xf32, #tpu.memory_space<hbm>>
      tpu.wait_dma2 semaphore(%run_scoped3A : memref<!tpu.dma_semaphore, #tpu.memory_space<semaphore_mem>>) src(%dma_wait3A_30 : memref<624x128xf32, #tpu.memory_space<hbm>>) dst(%dma_wait3A_28 : memref<624x128xf32, #tpu.memory_space<vmem_shared>>)
      tpu.yield
    }) : () -> ()
    %eq3A = arith.constant 0 : i32
    %eq3A_5 = arith.cmpi eq, %arg1, %eq3A : i32
    %convert_element_type3A = arith.extui %eq3A_5 : i1 to i32
    %cond3A = arith.constant 0 : i32
    %cond3A_6 = arith.cmpi ne, %convert_element_type3A, %cond3A : i32
    scf.if %cond3A_6 {
      "tpu.region"() ({
        %run_scoped3A = tpu.sem_alloc : memref<!tpu.dma_semaphore, #tpu.memory_space<semaphore_mem>>
        %dma_start3A = arith.constant 9984 : i32
        %dma_start3A_25 = arith.constant 0 : i32
        %dma_start3A_26 = tpu.memref_slice %arg10[%dma_start3A, %dma_start3A_25] : memref<10000x128xf32, #tpu.memory_space<vmem_shared>> -> memref<16x128xf32, #tpu.memory_space<vmem_shared>>
        %dma_start3A_27 = arith.constant 9984 : i32
        %dma_start3A_28 = arith.constant 0 : i32
        %dma_start3A_29 = tpu.memref_slice %arg5[%dma_start3A_27, %dma_start3A_28] : memref<10000x128xf32, #tpu.memory_space<hbm>> -> memref<16x128xf32, #tpu.memory_space<hbm>>
        tpu.enqueue_dma source(%dma_start3A_29 : memref<16x128xf32, #tpu.memory_space<hbm>>) target(%dma_start3A_26 : memref<16x128xf32, #tpu.memory_space<vmem_shared>>) target_semaphore(%run_scoped3A : memref<!tpu.dma_semaphore, #tpu.memory_space<semaphore_mem>>)
        %dma_wait3A = arith.constant 9984 : i32
        %dma_wait3A_30 = arith.constant 0 : i32
        %dma_wait3A_31 = tpu.memref_slice %arg10[%dma_wait3A, %dma_wait3A_30] : memref<10000x128xf32, #tpu.memory_space<vmem_shared>> -> memref<16x128xf32, #tpu.memory_space<vmem_shared>>
        %dma_wait3A_32 = arith.constant 9984 : i32
        %dma_wait3A_33 = arith.constant 0 : i32
        %dma_wait3A_34 = tpu.memref_slice %arg5[%dma_wait3A_32, %dma_wait3A_33] : memref<10000x128xf32, #tpu.memory_space<hbm>> -> memref<16x128xf32, #tpu.memory_space<hbm>>
        tpu.wait_dma2 semaphore(%run_scoped3A : memref<!tpu.dma_semaphore, #tpu.memory_space<semaphore_mem>>) src(%dma_wait3A_34 : memref<16x128xf32, #tpu.memory_space<hbm>>) dst(%dma_wait3A_31 : memref<16x128xf32, #tpu.memory_space<vmem_shared>>)
        tpu.yield
      }) : () -> ()
    } else {
    }
    %barrier3A = arith.constant 0 : index
    tpu.barrier barrier_id(%barrier3A)
    %scan3A = arith.constant 0 : i32
    %scan3A_7 = arith.constant 0 : i32
    %scan3A_8 = arith.constant 125 : i32
    %scan3A_9 = arith.addi %scan3A_7, %scan3A_8 : i32
    %scan3A_10 = arith.constant 1 : i32
    scf.for %scan3A_25 = %scan3A_7 to %scan3A_9 step %scan3A_10  : i32 {
      %dma_start3A = arith.constant 0 : i32
      %dma_start3A_26 = tpu.memref_slice %arg7[%scan3A_25, %dma_start3A] : memref<125x80xi32, #tpu.memory_space<vmem>> -> memref<1x80xi32, #tpu.memory_space<vmem>>
      %dma_start3A_27 = tpu.memref_squeeze %dma_start3A_26 : memref<1x80xi32, #tpu.memory_space<vmem>> -> memref<80xi32, #tpu.memory_space<vmem>>
      %dma_start3A_28 = arith.constant 0 : i32
      %dma_start3A_29 = arith.constant 0 : i32
      %dma_start3A_30 = tpu.memref_slice %arg2[%dma_start3A_28, %dma_start3A_29] : memref<10000x128xf32, #tpu.memory_space<hbm>> -> memref<10000x128xf32, #tpu.memory_space<hbm>>
      tpu.enqueue_indirect_dma source(%dma_start3A_30 : memref<10000x128xf32, #tpu.memory_space<hbm>>) target(%arg9 : memref<80x128xf32, #tpu.memory_space<vmem>>) offsets(%dma_start3A_27 : memref<80xi32, #tpu.memory_space<vmem>>) semaphore(%arg11 : memref<!tpu.dma_semaphore, #tpu.memory_space<semaphore_mem>>)
      %dma_wait3A = arith.constant 0 : i32
      %dma_wait3A_31 = tpu.memref_slice %arg7[%scan3A_25, %dma_wait3A] : memref<125x80xi32, #tpu.memory_space<vmem>> -> memref<1x80xi32, #tpu.memory_space<vmem>>
      %dma_wait3A_32 = tpu.memref_squeeze %dma_wait3A_31 : memref<1x80xi32, #tpu.memory_space<vmem>> -> memref<80xi32, #tpu.memory_space<vmem>>
      %dma_wait3A_33 = arith.constant 0 : i32
      %dma_wait3A_34 = arith.constant 0 : i32
      %dma_wait3A_35 = tpu.memref_slice %arg2[%dma_wait3A_33, %dma_wait3A_34] : memref<10000x128xf32, #tpu.memory_space<hbm>> -> memref<10000x128xf32, #tpu.memory_space<hbm>>
      tpu.wait_indirect_dma semaphore(%arg11 : memref<!tpu.dma_semaphore, #tpu.memory_space<semaphore_mem>>) src(%dma_wait3A_35 : memref<10000x128xf32, #tpu.memory_space<hbm>>) dst(%arg9 : memref<80x128xf32, #tpu.memory_space<vmem>>)
      "tpu.region"() ({
        %run_scoped3A = tpu.sem_alloc : memref<!tpu.dma_semaphore, #tpu.memory_space<semaphore_mem>>
        %dma_start3A_36 = arith.constant 0 : i32
        %dma_start3A_37 = tpu.memref_slice %arg8[%scan3A_25, %dma_start3A_36] : memref<125x80xi32, #tpu.memory_space<vmem>> -> memref<1x80xi32, #tpu.memory_space<vmem>>
        %dma_start3A_38 = tpu.memref_squeeze %dma_start3A_37 : memref<1x80xi32, #tpu.memory_space<vmem>> -> memref<80xi32, #tpu.memory_space<vmem>>
        %dma_start3A_39 = arith.constant 0 : i32
        %dma_start3A_40 = arith.constant 0 : i32
        %dma_start3A_41 = tpu.memref_slice %arg10[%dma_start3A_39, %dma_start3A_40] : memref<10000x128xf32, #tpu.memory_space<vmem_shared>> -> memref<10000x128xf32, #tpu.memory_space<vmem_shared>>
        tpu.enqueue_indirect_dma source(%arg9 : memref<80x128xf32, #tpu.memory_space<vmem>>) target(%dma_start3A_41 : memref<10000x128xf32, #tpu.memory_space<vmem_shared>>) offsets(%dma_start3A_38 : memref<80xi32, #tpu.memory_space<vmem>>) semaphore(%run_scoped3A : memref<!tpu.dma_semaphore, #tpu.memory_space<semaphore_mem>>) {add = true}
        %dma_wait3A_42 = arith.constant 0 : i32
        %dma_wait3A_43 = tpu.memref_slice %arg8[%scan3A_25, %dma_wait3A_42] : memref<125x80xi32, #tpu.memory_space<vmem>> -> memref<1x80xi32, #tpu.memory_space<vmem>>
        %dma_wait3A_44 = tpu.memref_squeeze %dma_wait3A_43 : memref<1x80xi32, #tpu.memory_space<vmem>> -> memref<80xi32, #tpu.memory_space<vmem>>
        %dma_wait3A_45 = arith.constant 0 : i32
        %dma_wait3A_46 = arith.constant 0 : i32
        %dma_wait3A_47 = tpu.memref_slice %arg10[%dma_wait3A_45, %dma_wait3A_46] : memref<10000x128xf32, #tpu.memory_space<vmem_shared>> -> memref<10000x128xf32, #tpu.memory_space<vmem_shared>>
        tpu.wait_indirect_dma semaphore(%run_scoped3A : memref<!tpu.dma_semaphore, #tpu.memory_space<semaphore_mem>>) src(%arg9 : memref<80x128xf32, #tpu.memory_space<vmem>>) dst(%dma_wait3A_47 : memref<10000x128xf32, #tpu.memory_space<vmem_shared>>)
        tpu.yield
      }) : () -> ()
    }
    %scan3A_11 = arith.constant 125 : i32
    %barrier3A_12 = arith.constant 0 : index
    tpu.barrier barrier_id(%barrier3A_12)
    %mul3A_13 = arith.constant 624 : i32
    %mul3A_14 = arith.muli %arg1, %mul3A_13 : i32
    %mul3A_15 = arith.constant 10000 : i32
    %mul3A_16 = arith.muli %arg0, %mul3A_15 : i32
    %mul3A_17 = arith.constant 624 : i32
    %mul3A_18 = arith.muli %arg1, %mul3A_17 : i32
    %add3A_19 = arith.addi %mul3A_16, %mul3A_18 : i32
    "tpu.region"() ({
      %run_scoped3A = tpu.sem_alloc : memref<!tpu.dma_semaphore, #tpu.memory_space<semaphore_mem>>
      %dma_start3A = arith.constant 0 : i32
      %dma_start3A_25 = tpu.memref_slice %arg6[%add3A_19, %dma_start3A] : memref<20000x128xf32, #tpu.memory_space<hbm>> -> memref<624x128xf32, #tpu.memory_space<hbm>>
      %dma_start3A_26 = arith.constant 0 : i32
      %dma_start3A_27 = tpu.memref_slice %arg10[%mul3A_14, %dma_start3A_26] : memref<10000x128xf32, #tpu.memory_space<vmem_shared>> -> memref<624x128xf32, #tpu.memory_space<vmem_shared>>
      tpu.enqueue_dma source(%dma_start3A_27 : memref<624x128xf32, #tpu.memory_space<vmem_shared>>) target(%dma_start3A_25 : memref<624x128xf32, #tpu.memory_space<hbm>>) target_semaphore(%run_scoped3A : memref<!tpu.dma_semaphore, #tpu.memory_space<semaphore_mem>>)
      %dma_wait3A = arith.constant 0 : i32
      %dma_wait3A_28 = tpu.memref_slice %arg6[%add3A_19, %dma_wait3A] : memref<20000x128xf32, #tpu.memory_space<hbm>> -> memref<624x128xf32, #tpu.memory_space<hbm>>
      %dma_wait3A_29 = arith.constant 0 : i32
      %dma_wait3A_30 = tpu.memref_slice %arg10[%mul3A_14, %dma_wait3A_29] : memref<10000x128xf32, #tpu.memory_space<vmem_shared>> -> memref<624x128xf32, #tpu.memory_space<vmem_shared>>
      tpu.wait_dma2 semaphore(%run_scoped3A : memref<!tpu.dma_semaphore, #tpu.memory_space<semaphore_mem>>) src(%dma_wait3A_30 : memref<624x128xf32, #tpu.memory_space<vmem_shared>>) dst(%dma_wait3A_28 : memref<624x128xf32, #tpu.memory_space<hbm>>)
      tpu.yield
    }) : () -> ()
    %eq3A_20 = arith.constant 0 : i32
    %eq3A_21 = arith.cmpi eq, %arg1, %eq3A_20 : i32
    %convert_element_type3A_22 = arith.extui %eq3A_21 : i1 to i32
    %cond3A_23 = arith.constant 0 : i32
    %cond3A_24 = arith.cmpi ne, %convert_element_type3A_22, %cond3A_23 : i32
    scf.if %cond3A_24 {
      %mul3A_25 = arith.constant 10000 : i32
      %mul3A_26 = arith.muli %arg0, %mul3A_25 : i32
      %add3A_27 = arith.constant 9984 : i32
      %add3A_28 = arith.addi %mul3A_26, %add3A_27 : i32
      "tpu.region"() ({
        %run_scoped3A = tpu.sem_alloc : memref<!tpu.dma_semaphore, #tpu.memory_space<semaphore_mem>>
        %dma_start3A = arith.constant 0 : i32
        %dma_start3A_29 = tpu.memref_slice %arg6[%add3A_28, %dma_start3A] : memref<20000x128xf32, #tpu.memory_space<hbm>> -> memref<16x128xf32, #tpu.memory_space<hbm>>
        %dma_start3A_30 = arith.constant 9984 : i32
        %dma_start3A_31 = arith.constant 0 : i32
        %dma_start3A_32 = tpu.memref_slice %arg10[%dma_start3A_30, %dma_start3A_31] : memref<10000x128xf32, #tpu.memory_space<vmem_shared>> -> memref<16x128xf32, #tpu.memory_space<vmem_shared>>
        tpu.enqueue_dma source(%dma_start3A_32 : memref<16x128xf32, #tpu.memory_space<vmem_shared>>) target(%dma_start3A_29 : memref<16x128xf32, #tpu.memory_space<hbm>>) target_semaphore(%run_scoped3A : memref<!tpu.dma_semaphore, #tpu.memory_space<semaphore_mem>>)
        %dma_wait3A = arith.constant 0 : i32
        %dma_wait3A_33 = tpu.memref_slice %arg6[%add3A_28, %dma_wait3A] : memref<20000x128xf32, #tpu.memory_space<hbm>> -> memref<16x128xf32, #tpu.memory_space<hbm>>
        %dma_wait3A_34 = arith.constant 9984 : i32
        %dma_wait3A_35 = arith.constant 0 : i32
        %dma_wait3A_36 = tpu.memref_slice %arg10[%dma_wait3A_34, %dma_wait3A_35] : memref<10000x128xf32, #tpu.memory_space<vmem_shared>> -> memref<16x128xf32, #tpu.memory_space<vmem_shared>>
        tpu.wait_dma2 semaphore(%run_scoped3A : memref<!tpu.dma_semaphore, #tpu.memory_space<semaphore_mem>>) src(%dma_wait3A_36 : memref<16x128xf32, #tpu.memory_space<vmem_shared>>) dst(%dma_wait3A_33 : memref<16x128xf32, #tpu.memory_space<hbm>>)
        tpu.yield
      }) : () -> ()
    } else {
    }
    return
  }
}

module attributes {stable_mosaic.version = 14 : i64} {
  func.func @_l1_body(%arg0: i32, %arg1: memref<1000x128xf32, #tpu.memory_space<vmem>>, %arg2: memref<128x128xf32, #tpu.memory_space<vmem>>, %arg3: memref<1x1000x1xf32, #tpu.memory_space<vmem>>, %arg4: memref<1x1000x1xf32, #tpu.memory_space<vmem>>, %arg5: memref<1000x128xf32, #tpu.memory_space<vmem>>, %arg6: memref<1000x1xf32, #tpu.memory_space<vmem>>) attributes {dimension_semantics = [#tpu.dimension_semantics<arbitrary>], iteration_bounds = array<i64: 10>, scalar_prefetch = 0 : i64, scratch_operands = 0 : i64, tpu.core_type = #tpu.core_type<tc>, window_params = [{transform_indices = @transform_0, window_bounds = array<i64: 1000, 128>}, {pipeline_mode = #tpu.pipeline_mode<synchronous>, transform_indices = @transform_1, window_bounds = array<i64: 128, 128>}, {transform_indices = @transform_2, window_bounds = array<i64: 1, 1000, 1>}, {transform_indices = @transform_3, window_bounds = array<i64: 1, 1000, 1>}, {transform_indices = @transform_4, window_bounds = array<i64: 1000, 128>}, {transform_indices = @transform_5, window_bounds = array<i64: 1000, 1>}]} {
    %get3A = arith.constant 0 : index
    %get3A_0 = arith.constant 0 : index
    %get3A_1 = arith.constant 0 : index
    %get3A_2 = vector.load %arg3[%get3A, %get3A_0, %get3A_1] : memref<1x1000x1xf32, #tpu.memory_space<vmem>>, vector<1x1000x1xf32>
    %get3A_3 = vector.shape_cast %get3A_2 : vector<1x1000x1xf32> to vector<1000x1xf32>
    %add3A = arith.constant 1.000000e+00 : f32
    %add3A_4 = vector.broadcast %add3A : f32 to vector<1000x1xf32>
    %add3A_5 = arith.addf %add3A_4, %get3A_3 : vector<1000x1xf32>
    %get3A_6 = arith.constant 0 : index
    %get3A_7 = arith.constant 0 : index
    %get3A_8 = arith.constant 0 : index
    %get3A_9 = vector.load %arg4[%get3A_6, %get3A_7, %get3A_8] : memref<1x1000x1xf32, #tpu.memory_space<vmem>>, vector<1x1000x1xf32>
    %get3A_10 = vector.shape_cast %get3A_9 : vector<1x1000x1xf32> to vector<1000x1xf32>
    %add3A_11 = arith.addf %add3A_5, %get3A_10 : vector<1000x1xf32>
    %rsqrt3A = math.rsqrt %add3A_11 : vector<1000x1xf32>
    %get3A_12 = arith.constant 0 : index
    %get3A_13 = arith.constant 0 : index
    %get3A_14 = vector.load %arg1[%get3A_12, %get3A_13] : memref<1000x128xf32, #tpu.memory_space<vmem>>, vector<1000x128xf32>
    %get3A_15 = arith.constant 0 : index
    %get3A_16 = arith.constant 0 : index
    %get3A_17 = vector.load %arg2[%get3A_15, %get3A_16] : memref<128x128xf32, #tpu.memory_space<vmem>>, vector<128x128xf32>
    %dot_general3A = arith.constant dense<0.000000e+00> : vector<1000x128xf32>
    %dot_general3A_18 = tpu.matmul %get3A_14, %get3A_17, %dot_general3A {dimension_numbers = #tpu.dot_dimension_numbers<[1], [0], [0], [1], [0, 0, 1, 1], [], []>, transpose_lhs_hint = false} : vector<1000x128xf32>, vector<128x128xf32>, vector<1000x128xf32> -> vector<1000x128xf32>
    %mul3A = vector.broadcast %rsqrt3A : vector<1000x1xf32> to vector<1000x128xf32>
    %mul3A_19 = arith.mulf %dot_general3A_18, %mul3A : vector<1000x128xf32>
    %swap3A = arith.constant 0 : index
    %swap3A_20 = arith.constant 0 : index
    %swap3A_21 = vector.load %arg5[%swap3A, %swap3A_20] : memref<1000x128xf32, #tpu.memory_space<vmem>>, vector<1000x128xf32>
    tpu.vector_store %arg5[%swap3A, %swap3A_20], %mul3A_19 {strides = array<i32>} : memref<1000x128xf32, #tpu.memory_space<vmem>>, vector<1000x128xf32>,
    %swap3A_22 = arith.constant 0 : index
    %swap3A_23 = arith.constant 0 : index
    %swap3A_24 = vector.load %arg6[%swap3A_22, %swap3A_23] : memref<1000x1xf32, #tpu.memory_space<vmem>>, vector<1000x1xf32>
    tpu.vector_store %arg6[%swap3A_22, %swap3A_23], %rsqrt3A {strides = array<i32>} : memref<1000x1xf32, #tpu.memory_space<vmem>>, vector<1000x1xf32>,
    return
  }
  func.func @transform_0(%arg0: i32) -> (i32, i32) {
    %c0_i32 = arith.constant 0 : i32
    %c0_i32_0 = arith.constant 0 : i32
    return %arg0, %c0_i32 : i32, i32
  }
  func.func @transform_1(%arg0: i32) -> (i32, i32) {
    %c0_i32 = arith.constant 0 : i32
    %c0_i32_0 = arith.constant 0 : i32
    %c0_i32_1 = arith.constant 0 : i32
    return %c0_i32, %c0_i32_0 : i32, i32
  }
  func.func @transform_2(%arg0: i32) -> (i32, i32, i32) {
    %c0_i32 = arith.constant 0 : i32
    %c0_i32_0 = arith.constant 0 : i32
    %c0_i32_1 = arith.constant 0 : i32
    return %c0_i32, %arg0, %c0_i32_0 : i32, i32, i32
  }
  func.func @transform_3(%arg0: i32) -> (i32, i32, i32) {
    %c1_i32 = arith.constant 1 : i32
    %c0_i32 = arith.constant 0 : i32
    %c0_i32_0 = arith.constant 0 : i32
    return %c1_i32, %arg0, %c0_i32 : i32, i32, i32
  }
  func.func @transform_4(%arg0: i32) -> (i32, i32) {
    %c0_i32 = arith.constant 0 : i32
    %c0_i32_0 = arith.constant 0 : i32
    return %arg0, %c0_i32 : i32, i32
  }
  func.func @transform_5(%arg0: i32) -> (i32, i32) {
    %c0_i32 = arith.constant 0 : i32
    %c0_i32_0 = arith.constant 0 : i32
    return %arg0, %c0_i32 : i32, i32
  }
}

module attributes {stable_mosaic.version = 14 : i64} {
  func.func @_l2_body(%arg0: i32, %arg1: memref<1x1000x128xf32, #tpu.memory_space<vmem>>, %arg2: memref<1x1000x128xf32, #tpu.memory_space<vmem>>, %arg3: memref<1000x128xf32, #tpu.memory_space<vmem>>, %arg4: memref<1000x1xf32, #tpu.memory_space<vmem>>, %arg5: memref<1x128xf32, #tpu.memory_space<vmem>>, %arg6: memref<128x128xf32, #tpu.memory_space<vmem>>, %arg7: memref<1000x128xf32, #tpu.memory_space<vmem>>) attributes {dimension_semantics = [#tpu.dimension_semantics<arbitrary>], iteration_bounds = array<i64: 10>, scalar_prefetch = 0 : i64, scratch_operands = 0 : i64, tpu.core_type = #tpu.core_type<tc>, window_params = [{transform_indices = @transform_0, window_bounds = array<i64: 1, 1000, 128>}, {transform_indices = @transform_1, window_bounds = array<i64: 1, 1000, 128>}, {transform_indices = @transform_2, window_bounds = array<i64: 1000, 128>}, {transform_indices = @transform_3, window_bounds = array<i64: 1000, 1>}, {pipeline_mode = #tpu.pipeline_mode<synchronous>, transform_indices = @transform_4, window_bounds = array<i64: 1, 128>}, {pipeline_mode = #tpu.pipeline_mode<synchronous>, transform_indices = @transform_5, window_bounds = array<i64: 128, 128>}, {transform_indices = @transform_6, window_bounds = array<i64: 1000, 128>}]} {
    %get3A = arith.constant 0 : index
    %get3A_0 = arith.constant 0 : index
    %get3A_1 = vector.load %arg4[%get3A, %get3A_0] : memref<1000x1xf32, #tpu.memory_space<vmem>>, vector<1000x1xf32>
    %get3A_2 = arith.constant 0 : index
    %get3A_3 = arith.constant 0 : index
    %get3A_4 = arith.constant 0 : index
    %get3A_5 = vector.load %arg1[%get3A_2, %get3A_3, %get3A_4] : memref<1x1000x128xf32, #tpu.memory_space<vmem>>, vector<1x1000x128xf32>
    %get3A_6 = vector.shape_cast %get3A_5 : vector<1x1000x128xf32> to vector<1000x128xf32>
    %get3A_7 = arith.constant 0 : index
    %get3A_8 = arith.constant 0 : index
    %get3A_9 = arith.constant 0 : index
    %get3A_10 = vector.load %arg2[%get3A_7, %get3A_8, %get3A_9] : memref<1x1000x128xf32, #tpu.memory_space<vmem>>, vector<1x1000x128xf32>
    %get3A_11 = vector.shape_cast %get3A_10 : vector<1x1000x128xf32> to vector<1000x128xf32>
    %add3A = arith.addf %get3A_6, %get3A_11 : vector<1000x128xf32>
    %get3A_12 = arith.constant 0 : index
    %get3A_13 = arith.constant 0 : index
    %get3A_14 = vector.load %arg3[%get3A_12, %get3A_13] : memref<1000x128xf32, #tpu.memory_space<vmem>>, vector<1000x128xf32>
    %add3A_15 = arith.addf %add3A, %get3A_14 : vector<1000x128xf32>
    %mul3A = vector.broadcast %get3A_1 : vector<1000x1xf32> to vector<1000x128xf32>
    %mul3A_16 = arith.mulf %mul3A, %add3A_15 : vector<1000x128xf32>
    %get3A_17 = arith.constant 0 : index
    %get3A_18 = arith.constant 0 : index
    %get3A_19 = vector.load %arg5[%get3A_17, %get3A_18] : memref<1x128xf32, #tpu.memory_space<vmem>>, vector<1x128xf32>
    %add3A_20 = vector.broadcast %get3A_19 : vector<1x128xf32> to vector<1000x128xf32>
    %add3A_21 = arith.addf %mul3A_16, %add3A_20 : vector<1000x128xf32>
    %max3A = arith.constant 0.000000e+00 : f32
    %max3A_22 = vector.broadcast %max3A : f32 to vector<1000x128xf32>
    %max3A_23 = arith.maximumf %add3A_21, %max3A_22 : vector<1000x128xf32>
    %get3A_24 = arith.constant 0 : index
    %get3A_25 = arith.constant 0 : index
    %get3A_26 = vector.load %arg6[%get3A_24, %get3A_25] : memref<128x128xf32, #tpu.memory_space<vmem>>, vector<128x128xf32>
    %dot_general3A = arith.constant dense<0.000000e+00> : vector<1000x128xf32>
    %dot_general3A_27 = tpu.matmul %max3A_23, %get3A_26, %dot_general3A {dimension_numbers = #tpu.dot_dimension_numbers<[1], [0], [0], [1], [0, 0, 1, 1], [], []>, transpose_lhs_hint = false} : vector<1000x128xf32>, vector<128x128xf32>, vector<1000x128xf32> -> vector<1000x128xf32>
    %mul3A_28 = vector.broadcast %get3A_1 : vector<1000x1xf32> to vector<1000x128xf32>
    %mul3A_29 = arith.mulf %dot_general3A_27, %mul3A_28 : vector<1000x128xf32>
    %swap3A = arith.constant 0 : index
    %swap3A_30 = arith.constant 0 : index
    %swap3A_31 = vector.load %arg7[%swap3A, %swap3A_30] : memref<1000x128xf32, #tpu.memory_space<vmem>>, vector<1000x128xf32>
    tpu.vector_store %arg7[%swap3A, %swap3A_30], %mul3A_29 {strides = array<i32>} : memref<1000x128xf32, #tpu.memory_space<vmem>>, vector<1000x128xf32>,
    return
  }
  func.func @transform_0(%arg0: i32) -> (i32, i32, i32) {
    %c0_i32 = arith.constant 0 : i32
    %c0_i32_0 = arith.constant 0 : i32
    %c0_i32_1 = arith.constant 0 : i32
    return %c0_i32, %arg0, %c0_i32_0 : i32, i32, i32
  }
  func.func @transform_1(%arg0: i32) -> (i32, i32, i32) {
    %c1_i32 = arith.constant 1 : i32
    %c0_i32 = arith.constant 0 : i32
    %c0_i32_0 = arith.constant 0 : i32
    return %c1_i32, %arg0, %c0_i32 : i32, i32, i32
  }
  func.func @transform_2(%arg0: i32) -> (i32, i32) {
    %c0_i32 = arith.constant 0 : i32
    %c0_i32_0 = arith.constant 0 : i32
    return %arg0, %c0_i32 : i32, i32
  }
  func.func @transform_3(%arg0: i32) -> (i32, i32) {
    %c0_i32 = arith.constant 0 : i32
    %c0_i32_0 = arith.constant 0 : i32
    return %arg0, %c0_i32 : i32, i32
  }
  func.func @transform_4(%arg0: i32) -> (i32, i32) {
    %c0_i32 = arith.constant 0 : i32
    %c0_i32_0 = arith.constant 0 : i32
    %c0_i32_1 = arith.constant 0 : i32
    return %c0_i32, %c0_i32_0 : i32, i32
  }
  func.func @transform_5(%arg0: i32) -> (i32, i32) {
    %c0_i32 = arith.constant 0 : i32
    %c0_i32_0 = arith.constant 0 : i32
    %c0_i32_1 = arith.constant 0 : i32
    return %c0_i32, %c0_i32_0 : i32, i32
  }
  func.func @transform_6(%arg0: i32) -> (i32, i32) {
    %c0_i32 = arith.constant 0 : i32
    %c0_i32_0 = arith.constant 0 : i32
    return %arg0, %c0_i32 : i32, i32
  }
}

module attributes {stable_mosaic.version = 14 : i64} {
  func.func @_pool_body(%arg0: i32, %arg1: memref<1x1000x128xf32, #tpu.memory_space<vmem>>, %arg2: memref<1x1000x128xf32, #tpu.memory_space<vmem>>, %arg3: memref<1000x128xf32, #tpu.memory_space<vmem>>, %arg4: memref<1000x1xf32, #tpu.memory_space<vmem>>, %arg5: memref<1x128xf32, #tpu.memory_space<vmem>>, %arg6: memref<1000x1xf32, #tpu.memory_space<vmem>>, %arg7: memref<64x128xf32, #tpu.memory_space<vmem>>, %arg8: memref<64x128xf32, #tpu.memory_space<vmem>>, %arg9: memref<64x1xf32, #tpu.memory_space<vmem>>) attributes {dimension_semantics = [#tpu.dimension_semantics<arbitrary>], iteration_bounds = array<i64: 10>, scalar_prefetch = 0 : i64, scratch_operands = 2 : i64, tpu.core_type = #tpu.core_type<tc>, window_params = [{transform_indices = @transform_0, window_bounds = array<i64: 1, 1000, 128>}, {transform_indices = @transform_1, window_bounds = array<i64: 1, 1000, 128>}, {transform_indices = @transform_2, window_bounds = array<i64: 1000, 128>}, {transform_indices = @transform_3, window_bounds = array<i64: 1000, 1>}, {pipeline_mode = #tpu.pipeline_mode<synchronous>, transform_indices = @transform_4, window_bounds = array<i64: 1, 128>}, {transform_indices = @transform_5, window_bounds = array<i64: 1000, 1>}, {pipeline_mode = #tpu.pipeline_mode<synchronous>, transform_indices = @transform_6, window_bounds = array<i64: 64, 128>}]} {
    %eq3A = arith.constant 0 : i32
    %eq3A_0 = arith.cmpi eq, %arg0, %eq3A : i32
    %convert_element_type3A = arith.extui %eq3A_0 : i1 to i32
    %cond3A = arith.constant 0 : i32
    %cond3A_1 = arith.cmpi ne, %convert_element_type3A, %cond3A : i32
    scf.if %cond3A_1 {
      %broadcast_in_dim3A_54 = arith.constant 0.000000e+00 : f32
      %broadcast_in_dim3A_55 = vector.broadcast %broadcast_in_dim3A_54 : f32 to vector<64x128xf32>
      %swap3A_56 = arith.constant 0 : index
      %swap3A_57 = arith.constant 0 : index
      %swap3A_58 = vector.load %arg8[%swap3A_56, %swap3A_57] : memref<64x128xf32, #tpu.memory_space<vmem>>, vector<64x128xf32>
      tpu.vector_store %arg8[%swap3A_56, %swap3A_57], %broadcast_in_dim3A_55 {strides = array<i32>} : memref<64x128xf32, #tpu.memory_space<vmem>>, vector<64x128xf32>,
      %broadcast_in_dim3A_59 = arith.constant 0.000000e+00 : f32
      %broadcast_in_dim3A_60 = vector.broadcast %broadcast_in_dim3A_59 : f32 to vector<64x1xf32>
      %swap3A_61 = arith.constant 0 : index
      %swap3A_62 = arith.constant 0 : index
      %swap3A_63 = vector.load %arg9[%swap3A_61, %swap3A_62] : memref<64x1xf32, #tpu.memory_space<vmem>>, vector<64x1xf32>
      tpu.vector_store %arg9[%swap3A_61, %swap3A_62], %broadcast_in_dim3A_60 {strides = array<i32>} : memref<64x1xf32, #tpu.memory_space<vmem>>, vector<64x1xf32>,
    } else {
    }
    %get3A = arith.constant 0 : index
    %get3A_2 = arith.constant 0 : index
    %get3A_3 = vector.load %arg4[%get3A, %get3A_2] : memref<1000x1xf32, #tpu.memory_space<vmem>>, vector<1000x1xf32>
    %get3A_4 = arith.constant 0 : index
    %get3A_5 = arith.constant 0 : index
    %get3A_6 = arith.constant 0 : index
    %get3A_7 = vector.load %arg1[%get3A_4, %get3A_5, %get3A_6] : memref<1x1000x128xf32, #tpu.memory_space<vmem>>, vector<1x1000x128xf32>
    %get3A_8 = vector.shape_cast %get3A_7 : vector<1x1000x128xf32> to vector<1000x128xf32>
    %get3A_9 = arith.constant 0 : index
    %get3A_10 = arith.constant 0 : index
    %get3A_11 = arith.constant 0 : index
    %get3A_12 = vector.load %arg2[%get3A_9, %get3A_10, %get3A_11] : memref<1x1000x128xf32, #tpu.memory_space<vmem>>, vector<1x1000x128xf32>
    %get3A_13 = vector.shape_cast %get3A_12 : vector<1x1000x128xf32> to vector<1000x128xf32>
    %add3A = arith.addf %get3A_8, %get3A_13 : vector<1000x128xf32>
    %get3A_14 = arith.constant 0 : index
    %get3A_15 = arith.constant 0 : index
    %get3A_16 = vector.load %arg3[%get3A_14, %get3A_15] : memref<1000x128xf32, #tpu.memory_space<vmem>>, vector<1000x128xf32>
    %add3A_17 = arith.addf %add3A, %get3A_16 : vector<1000x128xf32>
    %mul3A = vector.broadcast %get3A_3 : vector<1000x1xf32> to vector<1000x128xf32>
    %mul3A_18 = arith.mulf %mul3A, %add3A_17 : vector<1000x128xf32>
    %get3A_19 = arith.constant 0 : index
    %get3A_20 = arith.constant 0 : index
    %get3A_21 = vector.load %arg5[%get3A_19, %get3A_20] : memref<1x128xf32, #tpu.memory_space<vmem>>, vector<1x128xf32>
    %add3A_22 = vector.broadcast %get3A_21 : vector<1x128xf32> to vector<1000x128xf32>
    %add3A_23 = arith.addf %mul3A_18, %add3A_22 : vector<1000x128xf32>
    %iota3A = tpu.iota {dimensions = array<i32: 1>} : vector<1000x64xi32>
    %convert_element_type3A_24 = arith.sitofp %iota3A : vector<1000x64xi32> to vector<1000x64xf32>
    %get3A_25 = arith.constant 0 : index
    %get3A_26 = arith.constant 0 : index
    %get3A_27 = vector.load %arg6[%get3A_25, %get3A_26] : memref<1000x1xf32, #tpu.memory_space<vmem>>, vector<1000x1xf32>
    %eq3A_28 = vector.broadcast %get3A_27 : vector<1000x1xf32> to vector<1000x64xf32>
    %eq3A_29 = arith.cmpf oeq, %eq3A_28, %convert_element_type3A_24 : vector<1000x64xf32>
    %convert_element_type3A_30 = arith.extui %eq3A_29 : vector<1000x64xi1> to vector<1000x64xi32>
    %convert_element_type3A_31 = arith.sitofp %convert_element_type3A_30 : vector<1000x64xi32> to vector<1000x64xf32>
    %get3A_32 = arith.constant 0 : index
    %get3A_33 = arith.constant 0 : index
    %get3A_34 = vector.load %arg8[%get3A_32, %get3A_33] : memref<64x128xf32, #tpu.memory_space<vmem>>, vector<64x128xf32>
    %dot_general3A = arith.constant dense<0.000000e+00> : vector<64x128xf32>
    %dot_general3A_35 = tpu.matmul %convert_element_type3A_31, %add3A_23, %dot_general3A {dimension_numbers = #tpu.dot_dimension_numbers<[0], [0], [1], [1], [0, 1, 1, 1], [], []>, transpose_lhs_hint = false} : vector<1000x64xf32>, vector<1000x128xf32>, vector<64x128xf32> -> vector<64x128xf32>
    %add3A_36 = arith.addf %get3A_34, %dot_general3A_35 : vector<64x128xf32>
    %swap3A = arith.constant 0 : index
    %swap3A_37 = arith.constant 0 : index
    %swap3A_38 = vector.load %arg8[%swap3A, %swap3A_37] : memref<64x128xf32, #tpu.memory_space<vmem>>, vector<64x128xf32>
    tpu.vector_store %arg8[%swap3A, %swap3A_37], %add3A_36 {strides = array<i32>} : memref<64x128xf32, #tpu.memory_space<vmem>>, vector<64x128xf32>,
    %get3A_39 = arith.constant 0 : index
    %get3A_40 = arith.constant 0 : index
    %get3A_41 = vector.load %arg9[%get3A_39, %get3A_40] : memref<64x1xf32, #tpu.memory_space<vmem>>, vector<64x1xf32>
    %broadcast_in_dim3A = arith.constant 1.000000e+00 : f32
    %broadcast_in_dim3A_42 = vector.broadcast %broadcast_in_dim3A : f32 to vector<1000x1xf32>
    %dot_general3A_43 = arith.constant dense<0.000000e+00> : vector<64x1xf32>
    %dot_general3A_44 = tpu.matmul %convert_element_type3A_31, %broadcast_in_dim3A_42, %dot_general3A_43 {dimension_numbers = #tpu.dot_dimension_numbers<[0], [0], [1], [1], [0, 1, 1, 1], [], []>, transpose_lhs_hint = false} : vector<1000x64xf32>, vector<1000x1xf32>, vector<64x1xf32> -> vector<64x1xf32>
    %add3A_45 = arith.addf %get3A_41, %dot_general3A_44 : vector<64x1xf32>
    %swap3A_46 = arith.constant 0 : index
    %swap3A_47 = arith.constant 0 : index
    %swap3A_48 = vector.load %arg9[%swap3A_46, %swap3A_47] : memref<64x1xf32, #tpu.memory_space<vmem>>, vector<64x1xf32>
    tpu.vector_store %arg9[%swap3A_46, %swap3A_47], %add3A_45 {strides = array<i32>} : memref<64x1xf32, #tpu.memory_space<vmem>>, vector<64x1xf32>,
    %eq3A_49 = arith.constant 9 : i32
    %eq3A_50 = arith.cmpi eq, %arg0, %eq3A_49 : i32
    %convert_element_type3A_51 = arith.extui %eq3A_50 : i1 to i32
    %cond3A_52 = arith.constant 0 : i32
    %cond3A_53 = arith.cmpi ne, %convert_element_type3A_51, %cond3A_52 : i32
    scf.if %cond3A_53 {
      %get3A_54 = arith.constant 0 : index
      %get3A_55 = arith.constant 0 : index
      %get3A_56 = vector.load %arg8[%get3A_54, %get3A_55] : memref<64x128xf32, #tpu.memory_space<vmem>>, vector<64x128xf32>
      %get3A_57 = arith.constant 0 : index
      %get3A_58 = arith.constant 0 : index
      %get3A_59 = vector.load %arg9[%get3A_57, %get3A_58] : memref<64x1xf32, #tpu.memory_space<vmem>>, vector<64x1xf32>
      %max3A = arith.constant 1.000000e+00 : f32
      %max3A_60 = vector.broadcast %max3A : f32 to vector<64x1xf32>
      %max3A_61 = arith.maximumf %get3A_59, %max3A_60 : vector<64x1xf32>
      %div3A = vector.broadcast %max3A_61 : vector<64x1xf32> to vector<64x128xf32>
      %div3A_62 = arith.divf %get3A_56, %div3A : vector<64x128xf32>
      %swap3A_63 = arith.constant 0 : index
      %swap3A_64 = arith.constant 0 : index
      %swap3A_65 = vector.load %arg7[%swap3A_63, %swap3A_64] : memref<64x128xf32, #tpu.memory_space<vmem>>, vector<64x128xf32>
      tpu.vector_store %arg7[%swap3A_63, %swap3A_64], %div3A_62 {strides = array<i32>} : memref<64x128xf32, #tpu.memory_space<vmem>>, vector<64x128xf32>,
    } else {
    }
    return
  }
  func.func @transform_0(%arg0: i32) -> (i32, i32, i32) {
    %c0_i32 = arith.constant 0 : i32
    %c0_i32_0 = arith.constant 0 : i32
    %c0_i32_1 = arith.constant 0 : i32
    return %c0_i32, %arg0, %c0_i32_0 : i32, i32, i32
  }
  func.func @transform_1(%arg0: i32) -> (i32, i32, i32) {
    %c1_i32 = arith.constant 1 : i32
    %c0_i32 = arith.constant 0 : i32
    %c0_i32_0 = arith.constant 0 : i32
    return %c1_i32, %arg0, %c0_i32 : i32, i32, i32
  }
  func.func @transform_2(%arg0: i32) -> (i32, i32) {
    %c0_i32 = arith.constant 0 : i32
    %c0_i32_0 = arith.constant 0 : i32
    return %arg0, %c0_i32 : i32, i32
  }
  func.func @transform_3(%arg0: i32) -> (i32, i32) {
    %c0_i32 = arith.constant 0 : i32
    %c0_i32_0 = arith.constant 0 : i32
    return %arg0, %c0_i32 : i32, i32
  }
  func.func @transform_4(%arg0: i32) -> (i32, i32) {
    %c0_i32 = arith.constant 0 : i32
    %c0_i32_0 = arith.constant 0 : i32
    %c0_i32_1 = arith.constant 0 : i32
    return %c0_i32, %c0_i32_0 : i32, i32
  }
  func.func @transform_5(%arg0: i32) -> (i32, i32) {
    %c0_i32 = arith.constant 0 : i32
    %c0_i32_0 = arith.constant 0 : i32
    return %arg0, %c0_i32 : i32, i32
  }
  func.func @transform_6(%arg0: i32) -> (i32, i32) {
    %c0_i32 = arith.constant 0 : i32
    %c0_i32_0 = arith.constant 0 : i32
    %c0_i32_1 = arith.constant 0 : i32
    return %c0_i32, %c0_i32_0 : i32, i32
  }
}

</mosaic_0001>

<sc_bundles>
// kernel: kernel.11.cloned.1.call-start
scs
__scs_entry_jumppad:
0x0: {  	(pc) =	sbr.rel $0x88, $3  }
0x1: {  	(tag) =	ssettag $0x0;
	lr =	simm.s32 $0x1  }
0x2: {  	[smem:$0x3F9A] =	sst lr;
	_ =	strace $0xD0000000  }
0x3: {  	_ = 	snop  }
0x4: {  	_ = 	snop  }
0x5: {  	_ = 	snop  }
0x6: {  	_ = 	snop  }
0x7: {  	_ = 	snop  }
__scs_overlays_trampoline_lowered:
0x8: {  	[smem:$0x3FA9] =	sst s0  }
0x9: {  	[smem:$0x3FAA] =	sst s1  }
0xa: {  	[smem:$0x3FAB] =	sst s2  }
0xb: {  	[smem:$0x3FAC] =	sst s3  }
0xc: {  	[smem:$0x3FAD] =	sst s4  }
0xd: {  	[smem:$0x3FAE] =	sst s5  }
0xe: {  	[smem:$0x3FAF] =	sst s6  }
0xf: {  	[smem:$0x3FB0] =	sst s7  }
0x10: {  	[smem:$0x3FB1] =	sst s8  }
0x11: {  	[smem:$0x3FB2] =	sst s9;
	s0 =	simm.s32 @!p0 $0x0  }
0x12: {  	s1 =	sld [smem:$0x3F98];
	s0 =	simm.s32 @p0 $0x1  }
0x13: {  	[smem:$0x3FB3] =	sst s0;
	s0 =	simm.s32 @!p1 $0x0  }
0x14: {  	s2 =	sld [smem:$0x3F97];
	s0 =	simm.s32 @p1 $0x1  }
0x15: {  	[smem:$0x3FB4] =	sst s0;
	s0 =	simm.s32 @!p2 $0x0  }
0x16: {  	s3 =	sld [smem:$0x3FDB];
	s0 =	simm.s32 @p2 $0x1  }
0x17: {  	s4 =	simm.s32 $0x1BF5;
	[smem:$0x3FB6] =	sst s0  }
0x18: {  	s0 =	sld [smem:$0x3F99];
	_ =	swait.ge [sflag:s4], $0x0  }
0x19: {  	s7 =	sld [smem:$0x3F9A]  }
0x1a: {  	s8 =	sadd.s32 $0xFFFFE003, lr  }
0x1b: {  	s9 =	sadd.s32 $0xFFFFFEF7, lr;
	s5 =	simm.s32 $0xFFFFFFFF;
	p2 =	slt.u32 s8, $0xFFFFF086  }
0x1c: {  	p1 =	slt.u32 s9, $0xF7A;
	s5 =	simm.s32 @!p2 $0x0  }
0x1d: {  	s5 =	simm.s32 @p1 $0x1;
	p0 =	seq.s32 s7, s2  }
0x1e: {  	s7 =	smul.u32 @!p0 $0xF7A, s2;
	p2 =	seq.s32 @!p0 s5, $0x0  }
0x1f: {  	s9 =	smul.u32 $0xF7A, s1;
	s8 =	simm.s32 @!p0 $0x1BF5;
	p2 =	por !p2, p0  }
0x20: {  	[sflag:s8] =	ssyncset.s32 @!p0 $0xFFFFF086;
	s6 =	sadd.s32 @!p0 s3, s7;
	s7 =	simm.s32 @!p0 $0x108  }
0x21: {  	s3 =	sadd.s32 s3, s9;
	s6 =	sadd.s32 @!p0 $0x88, s6;
	s7 =	simm.s32 @p2 $0x1082  }
0x22: {  	[simem:s7], [sflag:s8] =	dma.local @!p0 [hbm:s6], $0xF7A  }
0x23: {  	s9 =	sor.u32 $0xD0000000, s2;
	s6 =	simm.s32 $0x108;
	_ =	swait.ge @!p0 [sflag:s8], $0x0  }
0x24: {  	s3 =	sadd.s32 $0x88, s3;
	s6 =	simm.s32 @!p1 $0x1082;
	[sflag:s4] =	ssyncset.s32 $0xFFFFF086  }
0x25: {  	[simem:s6], [sflag:s4] =	dma.local [hbm:s3], $0xF7A  }
0x26: {  	[smem:$0x3F9A] =	sst s1;
	(tag) =	ssettag s2;
	_ =	strace s9  }
0x27: {  	s1 =	sld [smem:$0x3FAA]  }
0x28: {  	s2 =	sld [smem:$0x3FAB]  }
0x29: {  	s4 =	sld [smem:$0x3FAD]  }
0x2a: {  	p0 =	seq.s32 s5, $0x0;
	s5 =	sld [smem:$0x3FAE]  }
0x2b: {  	s6 =	sld [smem:$0x3FAF]  }
0x2c: {  	s7 =	sld [smem:$0x3FB0]  }
0x2d: {  	s3 =	simm.s32 $0x108;
	s8 =	sld [smem:$0x3FB1]  }
0x2e: {  	s3 =	simm.s32 @!p0 $0x1082;
	s9 =	sld [smem:$0x3FB2]  }
0x2f: {  	lr =	sadd.s32 s0, s3;
	s0 =	sld [smem:$0x3FA9]  }
0x30: {  	s3 =	sld [smem:$0x3FAC]  }
0x31: {  	[smem:$0x3FB5] =	sst s10  }
0x32: {  	s10 =	sld [smem:$0x3FB3];
	_ =	sdelay $0x3  }
0x33: {  	p0 =	seq.s32 s10, $0x1;
	s10 =	sld [smem:$0x3FB5];
	_ =	sdelay $0x3  }
0x34: {  	[smem:$0x3FB5] =	sst s10  }
0x35: {  	s10 =	sld [smem:$0x3FB4];
	_ =	sdelay $0x3  }
0x36: {  	p1 =	seq.s32 s10, $0x1;
	s10 =	sld [smem:$0x3FB5];
	_ =	sdelay $0x3  }
0x37: {  	[smem:$0x3FB5] =	sst s10  }
0x38: {  	s10 =	sld [smem:$0x3FB6]  }
0x39: {  	_ = 	snop;
	(pc) =	sbr.ind lr, $3  }
0x3a: {  	_ = 	snop  }
0x3b: {  	_ = 	snop  }
0x3c: {  	p2 =	seq.s32 s10, $0x1;
	s10 =	sld [smem:$0x3FB5]  }
0x3d: {  	_ =	shalt  }
0x3e: {  	_ =	shalt  }
0x3f: {  	_ =	shalt  }
0x40: {  	_ =	shalt  }
0x41: {  	_ =	shalt  }
0x42: {  	_ =	shalt  }
0x43: {  	_ =	shalt  }
0x44: {  	_ =	shalt  }
0x45: {  	_ =	shalt  }
0x46: {  	_ =	shalt  }
0x47: {  	_ =	shalt  }
0x48: {  	_ =	shalt  }
0x49: {  	_ =	shalt  }
0x4a: {  	_ =	shalt  }
0x4b: {  	_ =	shalt  }
0x4c: {  	_ =	shalt  }
0x4d: {  	_ =	shalt  }
0x4e: {  	_ =	shalt  }
0x4f: {  	_ =	shalt  }
0x50: {  	_ =	shalt  }
0x51: {  	_ =	shalt  }
0x52: {  	_ =	shalt  }
0x53: {  	_ =	shalt  }
0x54: {  	_ =	shalt  }
0x55: {  	_ =	shalt  }
0x56: {  	_ =	shalt  }
0x57: {  	_ =	shalt  }
0x58: {  	_ =	shalt  }
0x59: {  	_ =	shalt  }
0x5a: {  	_ =	shalt  }
0x5b: {  	_ =	shalt  }
0x5c: {  	_ =	shalt  }
0x5d: {  	_ =	shalt  }
0x5e: {  	_ =	shalt  }
0x5f: {  	_ =	shalt  }
0x60: {  	_ =	shalt  }
0x61: {  	_ =	shalt  }
0x62: {  	_ =	shalt  }
0x63: {  	_ =	shalt  }
0x64: {  	_ =	shalt  }
0x65: {  	_ =	shalt  }
0x66: {  	_ =	shalt  }
0x67: {  	_ =	shalt  }
0x68: {  	_ =	shalt  }
0x69: {  	_ =	shalt  }
0x6a: {  	_ =	shalt  }
0x6b: {  	_ =	shalt  }
0x6c: {  	_ =	shalt  }
0x6d: {  	_ =	shalt  }
0x6e: {  	_ =	shalt  }
0x6f: {  	_ =	shalt  }
0x70: {  	_ =	shalt  }
0x71: {  	_ =	shalt  }
0x72: {  	_ =	shalt  }
0x73: {  	_ =	shalt  }
0x74: {  	_ =	shalt  }
0x75: {  	_ =	shalt  }
0x76: {  	_ =	shalt  }
0x77: {  	_ =	shalt  }
0x78: {  	_ =	shalt  }
0x79: {  	_ =	shalt  }
0x7a: {  	_ =	shalt  }
0x7b: {  	_ =	shalt  }
0x7c: {  	_ =	shalt  }
0x7d: {  	_ =	shalt  }
0x7e: {  	_ =	shalt  }
0x7f: {  	_ =	shalt  }
0x80: {  	_ =	shalt  }
0x81: {  	_ =	shalt  }
0x82: {  	_ =	shalt  }
0x83: {  	_ =	shalt  }
0x84: {  	_ =	shalt  }
0x85: {  	_ =	shalt  }
0x86: {  	_ =	shalt  }
0x87: {  	_ =	shalt  }
.Lfunc_end0:
.L_simem_size_0:
called_computation.1_lowered:
.L_overlay_start_0:
0x88: {  	s2 =	sld [smem:$0x3FD9]  }
0x89: {  	s3 =	sld [smem:$0x3FFE];
	_ =	sdelay $0x1  }
0x8a: {  	s1 =	srdreg.scid  }
0x8b: {  	s0 =	sand.u32 $0x1, s1  }
0x8c: {  	s16 =	sshll.u32 s0, $0xA;
	s2 =	sadd.s32 s3, s2  }
0x8d: {  	s2 =	sadd.s32 s2, s16  }
0x8e: {  	[smem:$0x3FC1] =	sst s2  }
0x8f: {  	_ = 	snop  }
0x90: {  	(tm) =	ssettm $0x1  }
0x91: {  	s17 =	sld [smem:$0x3FFB];
	_ =	sdelay $0x3  }
0x92: {  	_ =	strace s17  }
0x93: {  	s2 =	sld [smem:$0x3FFC];
	_ =	sdelay $0x3  }
0x94: {  	_ =	strace s2  }
0x95: {  	s2 =	sld [smem:$0x3FFD];
	_ =	sdelay $0x3  }
0x96: {  	_ =	strace s2  }
0x97: {  	_ =	strace $0x8FFFFFFF  }
0x98: {  	s18 =	sld [smem:$0x3FDB];
	_ =	sdelay $0x1  }
0x99: {  	s19 =	simm.s32 $_scs_section_size  }
0x9a: {  	s4 =	simm.s32 $_size__tile_overlayer_lowered;
	s5 =	simm.s32 $_tile_overlayer_lowered  }
0x9b: {  	s22 =	simm.s32 $0x1BFF;
	s21 =	sshll.u32 s5, $0x1;
	s2 =	sadd.s32 s19, s18  }
0x9c: {  	s6 =	simm.s32 $0x0;
	s20 =	sshll.u32 s4, $0x1;
	s4 =	sadd.s32 s21, s2  }
0x9d: {  	[timem:s6], [sflag:s22] =	dma.local [hbm:s4], s20  }
0x9e: {  	_ =	swait.ge [sflag:s22], s20  }
0x9f: {  	s3 =	ssub.s32 $0x0, s20;
	[sflag:s22] =	ssyncset.done $0x0  }
0xa0: {  	[sflag:s22] =	ssyncadd.s32 s3;
	_ =	sdelay $0x1  }
0xa1: {  	s23 =	simm.s32 $0x1B8B  }
0xa2: {  	_ =	swait.ge [sflag:s23], $0x1  }
0xa3: {  	[sflag:s23] =	ssyncset.done $0x0  }
0xa4: {  	s25 =	simm.s32 $0x1B8E;
	s24 =	sld [smem:$0x3FFE];
	[sflag:s23] =	ssyncadd.s32 $0xFFFFFFFF  }
0xa5: {  	s26 =	simm.s32 $execute0_lowered;
	[smem:$0x3FD2] =	sst s25  }
0xa6: {  	s4 =	sshll.u32 s26, $0x1;
	_ =	strace $0x80000049;
	[dreg:$0x1] =	wrdreg $0xFFFFFFFF  }
0xa7: {  	s28 =	simm.s32 $_size_execute0_lowered;
	s2 =	sadd.s32 s2, s4;
	[dreg:$0x0] =	wrdreg $0x0  }
0xa8: {  	s4 =	sshll.u32 s28, $0x1;
	[dreg:$0x2] =	wrdreg s2  }
0xa9: {  	[dreg:$0x3] =	wrdreg s4  }
0xaa: {  	[dreg:$0x4] =	wrdreg $0xC0  }
0xab: {  	_ =	task [dreg:s6], $0x5FFFF  }
0xac: {  	[dreg:$0x1] =	wrdreg $0xFFFFFFFF  }
0xad: {  	[dreg:$0x0] =	wrdreg $0x60  }
0xae: {  	[dreg:$0x2] =	wrdreg s24  }
0xaf: {  	[dreg:$0x3] =	wrdreg $0xA8000  }
0xb0: {  	[dreg:$0x4] =	wrdreg $0x9  }
0xb1: {  	_ =	task.clear_ibuf [dreg:s6], $0x5FFFF;
	_ =	strace $0x90000049  }
0xb2: {  	s29 =	simm.s32 $0x9;
	_ =	strace $0x8000004B  }
0xb3: {  	_ =	swait.ge [sflag:s29], $0x1  }
0xb4: {  	[sflag:s29] =	ssyncadd.s32 $0xFFFFFFFF  }
0xb5: {  	_ =	strace $0x9000004B  }
0xb6: {  	_ =	sfence  }
0xb7: {  	s30 =	sld [smem:$0x0];
	_ =	sdelay $0x2  }
0xb8: {  	s31 =	sshll.u32 s1, $0xD;
	s1 =	sshrl.u32 s1, $0x2  }
0xb9: {  	s3 =	sand.u32 $0x4000, s31;
	s1 =	sadd.s32 s1, s30  }
0xba: {  	s0 =	sor.u32 s3, s0;
	s1 =	sshll.u32 s1, $0x11  }
0xbb: {  	s0 =	sor.u32 s1, s0  }
0xbc: {  	s0 =	sadd.s32 $0x8F2B, s0  }
0xbd: {  	[sflag:s0] =	ssyncadd.remote.s32 $0x1  }
0xbe: {  	_ =	sfence.sel $0xFFFF  }
0xbf: {  	[dreg:$0x0] =	wrdreg $0xFFFFFFFF;
	(pc) =	sbr.abs _section_cstart, $3  }
0xc0: {  	[dreg:$0x1] =	wrdreg $0xFFFFFFFF  }
0xc1: {  	_ =	task.clear_ibuf [dreg:s6], $0x2FFFF;
	_ =	strace $0x9FFFFFFF  }
0xc2: {  	(tm) =	ssettm $0x7FFFFFFF  }
0xc3: {  	_ =	shalt  }
tec
execute0_lowered:
.L_overlay_start_1:
0x0: {  	(tag) =	ssettag $0x1  }
0x1: {  	s7 =	rddreg [dreg:$0x0]  }
0x2: {  	s1 =	rddreg [dreg:$0x1]  }
0x3: {  	s0 =	rddreg [dreg:$0x2];
	s2 =	simm.s32 $0x0;
	s3 =	srdreg.scid  }
0x4: {  	s11 =	stileid.u32;
	s18 =	simm.s32 $0x1;
	s19 =	simm.s32 $0x0  }
0x5: {  	[smem:$0x7FF] =	sst s2;
	s6 =	sand.u32 $0x1, s3;
	s4 =	sshll.u32 s11, $0xC  }
0x6: {  	s8 =	smul.u32 $0x2700, s11;
	s3 =	sadd.s32 $0x22A00, s7;
	s10 =	sadd.s32 $0x70E00, s7  }
0x7: {  	s13 =	smul.u32 $0x4E000, s11;
	s17 =	sadd.s32 $0x138000, s1;
	p0 =	sne.s32 s11, $0x0  }
0x8: {  	s31 =	sshll.u32 s11, $0x6;
	s11 =	simm.s32 $0x2;
	s5 =	sshll.u32 s6, $0xB  }
0x9: {  	_ =	strace $0x8000004A;
	s29 =	ssub.s32 $0x2, s6;
	s14 =	smul.u32 $0x138800, s6  }
0xa: {  	s15 =	smul.u32 $0x27100, s6;
	s4 =	sor.u32 s5, s4;
	s9 =	sadd.s32 s8, s7  }
0xb: {  	s12 =	sshrl.u32 s29, $0x1;
	s13 =	sshrl.u32 s13, $0x2;
	s5 =	sadd.s32 s4, s7  }
0xc: {  	s12 =	ssub.s32 s29, s12;
	s16 =	sadd.s32 s13, s1;
	s6 =	sadd.s32 $0x49C00, s9  }
0xd: {  	s30 =	sshrl.u32 s14, $0x3;
	s8 =	sadd.s32 s8, s15;
	s7 =	sadd.s32 $0x70C00, s7  }
0xe: {  	s13 =	sor.u32 $0x1C02, s31;
	s15 =	sshrl.u32 @!p0 s17, $0x3;
	s17 =	simm.s32 $0x8000  }
0xf: {  	s4 =	sadd.s32 $0x12A00, s5;
	s5 =	sadd.s32 $0x2000, s5;
	s9 =	sadd.s32 s10, s30  }
0x10: {  	s8 =	sadd.s32 s10, s8;
	s10 =	smax.u32 s12, $0x1;
	s12 =	simm.s32 $0x4000  }
0x11: {  	s14 =	sshrl.u32 s16, $0x3;
	s16 =	simm.s32 $0x50;
	s9 =	sadd.s32 $0x27000, s9  }
.LBB2_1:
0x12: {  	[tilespmem:s2], [sflag:$0x2] =	stream.linear.gather [hbm4b:s4+s2], $0x3E80, $0x38;
	[tilespmem:$0x1E080] =	vst v63  }
0x13: {  	_ =	swait.ge [sflag:s11], $0x3E80  }
0x14: {  	[sflag:s11] =	ssyncset.done $0x0  }
0x15: {  	[sflag:s11] =	ssyncadd.s32 $0xFFFFC180  }
0x16: {  	[tilespmem:s12], [sflag:$0x2] =	stream.linear.gather [hbm4b:s5+s2], $0x3E80, $0x38;
	[tilespmem:$0x1E080] =	vst v63  }
0x17: {  	_ =	swait.ge [sflag:s11], $0x3E80  }
0x18: {  	[sflag:s11] =	ssyncset.done $0x0  }
0x19: {  	[sflag:s11] =	ssyncadd.s32 $0xFFFFC180  }
0x1a: {  	[spmem:s14], [sflag:s13] =	dma.local [hbm:s6], $0x2700  }
0x1b: {  	_ =	swait.ge [sflag:s11], $0x2700  }
0x1c: {  	[sflag:s11] =	ssyncset.done $0x0  }
0x1d: {  	s20 =	simm.s32 @!p0 $0x2;
	[sflag:s11] =	ssyncadd.s32 $0xFFFFD900  }
0x1e: {  	[spmem:s15], [sflag:s13] =	dma.local @!p0 [hbm:s7], $0x100  }
0x1f: {  	_ =	swait.ge @!p0 [sflag:s20], $0x100  }
0x20: {  	[sflag:s20] =	ssyncset.done @!p0 $0x0  }
0x21: {  	[sflag:s20] =	ssyncadd.s32 @!p0 $0xFFFFFF00  }
0x22: {  	s30 =	simm.s32 $0x0;
	[bflag:$0x0] =	sbarrier.arrive $0xFFFF  }
0x23: {  	[tilespmem:s17], [sflag:$0x1] =	stream.indirect.gather [hbm4b:s3+s16], $0x80, s30, s16, $0xb8;
	[tilespmem:$0x1E080] =	vst v63  }
0x24: {  	_ =	swait.ge [sflag:s18], $0x2800  }
0x25: {  	[sflag:s18] =	ssyncset.done $0x0  }
0x26: {  	s31 =	simm.s32 $0x4000;
	[sflag:s18] =	ssyncadd.s32 $0xFFFFD800  }
0x27: {  	[spmem:s1] =	stream.indirect.scatter.add.f32 [tilespmem:s17], [sflag:$0x2], $0x80, s31, s16, $0xb8;
	[tilespmem:$0x1E080] =	vst v63  }
0x28: {  	_ =	swait.ge [sflag:s11], $0x2800  }
0x29: {  	s21 =	simm.s32 $0x400;
	s20 =	simm.s32 $0x200;
	[sflag:s11] =	ssyncset.done $0x0  }
.LBB2_2:
0x2a: {  	s22 =	sshra.s32 s20, $0x2  }
0x2b: {  	[sflag:s11] =	ssyncadd.s32 $0xFFFFD800;
	s20 =	smov.u32 s21;
	s23 =	sadd.s32 $0x200, s21  }
0x2c: {  	[tilespmem:s17], [sflag:$0x1] =	stream.indirect.gather [hbm4b:s3+s16], $0x80, s22, s16, $0xb8;
	[tilespmem:$0x1E080] =	vst v63  }
0x2d: {  	p1 =	sne.s32 s21, $0xF800;
	_ =	swait.ge [sflag:s18], $0x2800  }
.Ltmp0:
0x2e: {  	[sflag:s18] =	ssyncset.done $0x0;
	(pc) =	sbr.rel @p1 .LBB2_2-.Ltmp0, $4  }
0x2f: {  	s21 =	sadd.s32 $0x4000, s22;
	[sflag:s18] =	ssyncadd.s32 $0xFFFFD800  }
0x30: {  	[spmem:s1] =	stream.indirect.scatter.add.f32 [tilespmem:s17], [sflag:$0x2], $0x80, s21, s16, $0xb8;
	[tilespmem:$0x1E080] =	vst v63  }
0x31: {  	_ =	swait.ge [sflag:s11], $0x2800  }
0x32: {  	s21 =	smov.u32 s23;
	[sflag:s11] =	ssyncset.done $0x0  }
0x33: {  	s20 =	sshra.s32 s20, $0x2;
	[sflag:s11] =	ssyncadd.s32 $0xFFFFD800  }
0x34: {  	[tilespmem:s17], [sflag:$0x1] =	stream.indirect.gather [hbm4b:s3+s16], $0x80, s20, s16, $0xb8;
	[tilespmem:$0x1E080] =	vst v63  }
0x35: {  	_ =	swait.ge [sflag:s18], $0x2800  }
0x36: {  	[sflag:s18] =	ssyncset.done $0x0  }
0x37: {  	s20 =	sadd.s32 $0x4000, s20;
	[sflag:s18] =	ssyncadd.s32 $0xFFFFD800  }
0x38: {  	[spmem:s1] =	stream.indirect.scatter.add.f32 [tilespmem:s17], [sflag:$0x2], $0x80, s20, s16, $0xb8;
	[tilespmem:$0x1E080] =	vst v63  }
0x39: {  	_ =	swait.ge [sflag:s11], $0x2800  }
0x3a: {  	[sflag:s11] =	ssyncset.done $0x0  }
0x3b: {  	[sflag:s11] =	ssyncadd.s32 $0xFFFFD800  }
0x3c: {  	[bflag:$0x0] =	sbarrier.arrive $0xFFFF  }
0x3d: {  	[hbm:s8], [sflag:s13] =	dma.local [spmem:s14], $0x2700  }
0x3e: {  	s19 =	sadd.s32 $0x1, s19;
	_ =	swait.ge [sflag:s11], $0x2700  }
0x3f: {  	p1 =	sne.s32 s19, s10;
	[sflag:s11] =	ssyncset.done $0x0  }
.Ltmp1:
0x40: {  	s20 =	simm.s32 @!p0 $0x2;
	[sflag:s11] =	ssyncadd.s32 $0xFFFFD900;
	(pc) =	sbr.rel @p1 .LBB2_1-.Ltmp1, $4  }
0x41: {  	[hbm:s9], [sflag:s13] =	dma.local @!p0 [spmem:s15], $0x100  }
0x42: {  	_ =	swait.ge @!p0 [sflag:s20], $0x100  }
0x43: {  	[sflag:s20] =	ssyncset.done @!p0 $0x0  }
0x44: {  	[sflag:s20] =	ssyncadd.s32 @!p0 $0xFFFFFF00  }
0x45: {  	_ =	sfence.sel $0x180000  }
0x46: {  	[bflag:$0x0] =	sbarrier.arrive $0xFFFF  }
0x47: {  	_ =	strace $0x9000004A  }
0x48: {  	s0 =	sadd.s32 @!p0 $0x100000, s0;
	[bflag:$0x2] =	sbarrier.arrive $0xFFFF  }
0x49: {  	[sflag:s0] =	ssyncadd.tile.s32 @!p0 $0x1;
	_ =	shalt  }
.Lfunc_end2:
_tile_overlayer_lowered:
.L_overlay_start_2:
0x4a: {  	(tag) =	ssettag $0x2  }
0x4b: {  	s0 =	rddreg [dreg:$0x0];
	s2 =	stileid.u32  }
0x4c: {  	s1 =	rddreg [dreg:$0x1];
	p0 =	sne.s32 s2, $0x0  }
0x4d: {  	s3 =	rddreg [dreg:$0x2];
	[bflag:$0x3] =	sbarrier.arrive $0xFFFF;
	s2 =	simm.s32 @!p0 $0x1C02  }
0x4e: {  	[timem:s3], [sflag:s2] =	dma.local @!p0 [hbm:s0], s1  }
0x4f: {  	s0 =	simm.s32 @!p0 $0x2  }
0x50: {  	_ =	swait.ge @!p0 [sflag:s0], s1  }
0x51: {  	s1 =	ssub.s32 @!p0 $0x0, s1;
	[sflag:s0] =	ssyncset.done @!p0 $0x0  }
0x52: {  	[sflag:s0] =	ssyncadd.s32 @!p0 s1  }
0x53: {  	[bflag:$0x3] =	sbarrier.arrive $0xFFFF  }
0x54: {  	_ =	shalt  }

// kernel: kernel.14.cloned.1.call-start
scs
__scs_entry_jumppad:
0x0: {  	(pc) =	sbr.rel $0x88, $3  }
0x1: {  	(tag) =	ssettag $0x0;
	lr =	simm.s32 $0x1  }
0x2: {  	[smem:$0x3F9A] =	sst lr;
	_ =	strace $0xD0000000  }
0x3: {  	_ = 	snop  }
0x4: {  	_ = 	snop  }
0x5: {  	_ = 	snop  }
0x6: {  	_ = 	snop  }
0x7: {  	_ = 	snop  }
__scs_overlays_trampoline_lowered:
0x8: {  	[smem:$0x3FA9] =	sst s0  }
0x9: {  	[smem:$0x3FAA] =	sst s1  }
0xa: {  	[smem:$0x3FAB] =	sst s2  }
0xb: {  	[smem:$0x3FAC] =	sst s3  }
0xc: {  	[smem:$0x3FAD] =	sst s4  }
0xd: {  	[smem:$0x3FAE] =	sst s5  }
0xe: {  	[smem:$0x3FAF] =	sst s6  }
0xf: {  	[smem:$0x3FB0] =	sst s7  }
0x10: {  	[smem:$0x3FB1] =	sst s8  }
0x11: {  	[smem:$0x3FB2] =	sst s9;
	s0 =	simm.s32 @!p0 $0x0  }
0x12: {  	s1 =	sld [smem:$0x3F98];
	s0 =	simm.s32 @p0 $0x1  }
0x13: {  	[smem:$0x3FB3] =	sst s0;
	s0 =	simm.s32 @!p1 $0x0  }
0x14: {  	s2 =	sld [smem:$0x3F97];
	s0 =	simm.s32 @p1 $0x1  }
0x15: {  	[smem:$0x3FB4] =	sst s0;
	s0 =	simm.s32 @!p2 $0x0  }
0x16: {  	s3 =	sld [smem:$0x3FDB];
	s0 =	simm.s32 @p2 $0x1  }
0x17: {  	s4 =	simm.s32 $0x1BF5;
	[smem:$0x3FB6] =	sst s0  }
0x18: {  	s0 =	sld [smem:$0x3F99];
	_ =	swait.ge [sflag:s4], $0x0  }
0x19: {  	s7 =	sld [smem:$0x3F9A]  }
0x1a: {  	s8 =	sadd.s32 $0xFFFFE003, lr  }
0x1b: {  	s9 =	sadd.s32 $0xFFFFFEF7, lr;
	s5 =	simm.s32 $0xFFFFFFFF;
	p2 =	slt.u32 s8, $0xFFFFF086  }
0x1c: {  	p1 =	slt.u32 s9, $0xF7A;
	s5 =	simm.s32 @!p2 $0x0  }
0x1d: {  	s5 =	simm.s32 @p1 $0x1;
	p0 =	seq.s32 s7, s2  }
0x1e: {  	s7 =	smul.u32 @!p0 $0xF7A, s2;
	p2 =	seq.s32 @!p0 s5, $0x0  }
0x1f: {  	s9 =	smul.u32 $0xF7A, s1;
	s8 =	simm.s32 @!p0 $0x1BF5;
	p2 =	por !p2, p0  }
0x20: {  	[sflag:s8] =	ssyncset.s32 @!p0 $0xFFFFF086;
	s6 =	sadd.s32 @!p0 s3, s7;
	s7 =	simm.s32 @!p0 $0x108  }
0x21: {  	s3 =	sadd.s32 s3, s9;
	s6 =	sadd.s32 @!p0 $0x88, s6;
	s7 =	simm.s32 @p2 $0x1082  }
0x22: {  	[simem:s7], [sflag:s8] =	dma.local @!p0 [hbm:s6], $0xF7A  }
0x23: {  	s9 =	sor.u32 $0xD0000000, s2;
	s6 =	simm.s32 $0x108;
	_ =	swait.ge @!p0 [sflag:s8], $0x0  }
0x24: {  	s3 =	sadd.s32 $0x88, s3;
	s6 =	simm.s32 @!p1 $0x1082;
	[sflag:s4] =	ssyncset.s32 $0xFFFFF086  }
0x25: {  	[simem:s6], [sflag:s4] =	dma.local [hbm:s3], $0xF7A  }
0x26: {  	[smem:$0x3F9A] =	sst s1;
	(tag) =	ssettag s2;
	_ =	strace s9  }
0x27: {  	s1 =	sld [smem:$0x3FAA]  }
0x28: {  	s2 =	sld [smem:$0x3FAB]  }
0x29: {  	s4 =	sld [smem:$0x3FAD]  }
0x2a: {  	p0 =	seq.s32 s5, $0x0;
	s5 =	sld [smem:$0x3FAE]  }
0x2b: {  	s6 =	sld [smem:$0x3FAF]  }
0x2c: {  	s7 =	sld [smem:$0x3FB0]  }
0x2d: {  	s3 =	simm.s32 $0x108;
	s8 =	sld [smem:$0x3FB1]  }
0x2e: {  	s3 =	simm.s32 @!p0 $0x1082;
	s9 =	sld [smem:$0x3FB2]  }
0x2f: {  	lr =	sadd.s32 s0, s3;
	s0 =	sld [smem:$0x3FA9]  }
0x30: {  	s3 =	sld [smem:$0x3FAC]  }
0x31: {  	[smem:$0x3FB5] =	sst s10  }
0x32: {  	s10 =	sld [smem:$0x3FB3];
	_ =	sdelay $0x3  }
0x33: {  	p0 =	seq.s32 s10, $0x1;
	s10 =	sld [smem:$0x3FB5];
	_ =	sdelay $0x3  }
0x34: {  	[smem:$0x3FB5] =	sst s10  }
0x35: {  	s10 =	sld [smem:$0x3FB4];
	_ =	sdelay $0x3  }
0x36: {  	p1 =	seq.s32 s10, $0x1;
	s10 =	sld [smem:$0x3FB5];
	_ =	sdelay $0x3  }
0x37: {  	[smem:$0x3FB5] =	sst s10  }
0x38: {  	s10 =	sld [smem:$0x3FB6]  }
0x39: {  	_ = 	snop;
	(pc) =	sbr.ind lr, $3  }
0x3a: {  	_ = 	snop  }
0x3b: {  	_ = 	snop  }
0x3c: {  	p2 =	seq.s32 s10, $0x1;
	s10 =	sld [smem:$0x3FB5]  }
0x3d: {  	_ =	shalt  }
0x3e: {  	_ =	shalt  }
0x3f: {  	_ =	shalt  }
0x40: {  	_ =	shalt  }
0x41: {  	_ =	shalt  }
0x42: {  	_ =	shalt  }
0x43: {  	_ =	shalt  }
0x44: {  	_ =	shalt  }
0x45: {  	_ =	shalt  }
0x46: {  	_ =	shalt  }
0x47: {  	_ =	shalt  }
0x48: {  	_ =	shalt  }
0x49: {  	_ =	shalt  }
0x4a: {  	_ =	shalt  }
0x4b: {  	_ =	shalt  }
0x4c: {  	_ =	shalt  }
0x4d: {  	_ =	shalt  }
0x4e: {  	_ =	shalt  }
0x4f: {  	_ =	shalt  }
0x50: {  	_ =	shalt  }
0x51: {  	_ =	shalt  }
0x52: {  	_ =	shalt  }
0x53: {  	_ =	shalt  }
0x54: {  	_ =	shalt  }
0x55: {  	_ =	shalt  }
0x56: {  	_ =	shalt  }
0x57: {  	_ =	shalt  }
0x58: {  	_ =	shalt  }
0x59: {  	_ =	shalt  }
0x5a: {  	_ =	shalt  }
0x5b: {  	_ =	shalt  }
0x5c: {  	_ =	shalt  }
0x5d: {  	_ =	shalt  }
0x5e: {  	_ =	shalt  }
0x5f: {  	_ =	shalt  }
0x60: {  	_ =	shalt  }
0x61: {  	_ =	shalt  }
0x62: {  	_ =	shalt  }
0x63: {  	_ =	shalt  }
0x64: {  	_ =	shalt  }
0x65: {  	_ =	shalt  }
0x66: {  	_ =	shalt  }
0x67: {  	_ =	shalt  }
0x68: {  	_ =	shalt  }
0x69: {  	_ =	shalt  }
0x6a: {  	_ =	shalt  }
0x6b: {  	_ =	shalt  }
0x6c: {  	_ =	shalt  }
0x6d: {  	_ =	shalt  }
0x6e: {  	_ =	shalt  }
0x6f: {  	_ =	shalt  }
0x70: {  	_ =	shalt  }
0x71: {  	_ =	shalt  }
0x72: {  	_ =	shalt  }
0x73: {  	_ =	shalt  }
0x74: {  	_ =	shalt  }
0x75: {  	_ =	shalt  }
0x76: {  	_ =	shalt  }
0x77: {  	_ =	shalt  }
0x78: {  	_ =	shalt  }
0x79: {  	_ =	shalt  }
0x7a: {  	_ =	shalt  }
0x7b: {  	_ =	shalt  }
0x7c: {  	_ =	shalt  }
0x7d: {  	_ =	shalt  }
0x7e: {  	_ =	shalt  }
0x7f: {  	_ =	shalt  }
0x80: {  	_ =	shalt  }
0x81: {  	_ =	shalt  }
0x82: {  	_ =	shalt  }
0x83: {  	_ =	shalt  }
0x84: {  	_ =	shalt  }
0x85: {  	_ =	shalt  }
0x86: {  	_ =	shalt  }
0x87: {  	_ =	shalt  }
.Lfunc_end0:
.L_simem_size_0:
called_computation.2_lowered:
.L_overlay_start_0:
0x88: {  	s2 =	sld [smem:$0x3FD9]  }
0x89: {  	s3 =	sld [smem:$0x3FFE];
	_ =	sdelay $0x1  }
0x8a: {  	s1 =	srdreg.scid  }
0x8b: {  	s0 =	sand.u32 $0x1, s1  }
0x8c: {  	s16 =	sshll.u32 s0, $0xA;
	s2 =	sadd.s32 s3, s2  }
0x8d: {  	s2 =	sadd.s32 s2, s16  }
0x8e: {  	[smem:$0x3FC1] =	sst s2  }
0x8f: {  	_ = 	snop  }
0x90: {  	(tm) =	ssettm $0x1  }
0x91: {  	s17 =	sld [smem:$0x3FFB];
	_ =	sdelay $0x3  }
0x92: {  	_ =	strace s17  }
0x93: {  	s2 =	sld [smem:$0x3FFC];
	_ =	sdelay $0x3  }
0x94: {  	_ =	strace s2  }
0x95: {  	s2 =	sld [smem:$0x3FFD];
	_ =	sdelay $0x3  }
0x96: {  	_ =	strace s2  }
0x97: {  	_ =	strace $0x8FFFFFFF  }
0x98: {  	s18 =	sld [smem:$0x3FDB];
	_ =	sdelay $0x1  }
0x99: {  	s19 =	simm.s32 $_scs_section_size  }
0x9a: {  	s4 =	simm.s32 $_size__tile_overlayer_lowered;
	s5 =	simm.s32 $_tile_overlayer_lowered  }
0x9b: {  	s22 =	simm.s32 $0x1BFF;
	s21 =	sshll.u32 s5, $0x1;
	s2 =	sadd.s32 s19, s18  }
0x9c: {  	s6 =	simm.s32 $0x0;
	s20 =	sshll.u32 s4, $0x1;
	s4 =	sadd.s32 s21, s2  }
0x9d: {  	[timem:s6], [sflag:s22] =	dma.local [hbm:s4], s20  }
0x9e: {  	_ =	swait.ge [sflag:s22], s20  }
0x9f: {  	s3 =	ssub.s32 $0x0, s20;
	[sflag:s22] =	ssyncset.done $0x0  }
0xa0: {  	[sflag:s22] =	ssyncadd.s32 s3;
	_ =	sdelay $0x1  }
0xa1: {  	s23 =	simm.s32 $0x1B8B  }
0xa2: {  	_ =	swait.ge [sflag:s23], $0x1  }
0xa3: {  	[sflag:s23] =	ssyncset.done $0x0  }
0xa4: {  	s25 =	simm.s32 $0x1B8E;
	s24 =	sld [smem:$0x3FFE];
	[sflag:s23] =	ssyncadd.s32 $0xFFFFFFFF  }
0xa5: {  	s26 =	simm.s32 $execute0_lowered;
	[smem:$0x3FD2] =	sst s25  }
0xa6: {  	s4 =	sshll.u32 s26, $0x1;
	_ =	strace $0x8000004C;
	[dreg:$0x1] =	wrdreg $0xFFFFFFFF  }
0xa7: {  	s28 =	simm.s32 $_size_execute0_lowered;
	s2 =	sadd.s32 s2, s4;
	[dreg:$0x0] =	wrdreg $0x0  }
0xa8: {  	s4 =	sshll.u32 s28, $0x1;
	[dreg:$0x2] =	wrdreg s2  }
0xa9: {  	[dreg:$0x3] =	wrdreg s4  }
0xaa: {  	[dreg:$0x4] =	wrdreg $0xC0  }
0xab: {  	_ =	task [dreg:s6], $0x5FFFF  }
0xac: {  	[dreg:$0x1] =	wrdreg $0xFFFFFFFF  }
0xad: {  	[dreg:$0x0] =	wrdreg $0x60  }
0xae: {  	[dreg:$0x2] =	wrdreg s24  }
0xaf: {  	[dreg:$0x3] =	wrdreg $0xA8000  }
0xb0: {  	[dreg:$0x4] =	wrdreg $0x9  }
0xb1: {  	_ =	task.clear_ibuf [dreg:s6], $0x5FFFF;
	_ =	strace $0x9000004C  }
0xb2: {  	s29 =	simm.s32 $0x9;
	_ =	strace $0x8000004E  }
0xb3: {  	_ =	swait.ge [sflag:s29], $0x1  }
0xb4: {  	[sflag:s29] =	ssyncadd.s32 $0xFFFFFFFF  }
0xb5: {  	_ =	strace $0x9000004E  }
0xb6: {  	_ =	sfence  }
0xb7: {  	s30 =	sld [smem:$0x0];
	_ =	sdelay $0x2  }
0xb8: {  	s31 =	sshll.u32 s1, $0xD;
	s1 =	sshrl.u32 s1, $0x2  }
0xb9: {  	s3 =	sand.u32 $0x4000, s31;
	s1 =	sadd.s32 s1, s30  }
0xba: {  	s0 =	sor.u32 s3, s0;
	s1 =	sshll.u32 s1, $0x11  }
0xbb: {  	s0 =	sor.u32 s1, s0  }
0xbc: {  	s0 =	sadd.s32 $0x8F2B, s0  }
0xbd: {  	[sflag:s0] =	ssyncadd.remote.s32 $0x1  }
0xbe: {  	_ =	sfence.sel $0xFFFF  }
0xbf: {  	[dreg:$0x0] =	wrdreg $0xFFFFFFFF;
	(pc) =	sbr.abs _section_cstart, $3  }
0xc0: {  	[dreg:$0x1] =	wrdreg $0xFFFFFFFF  }
0xc1: {  	_ =	task.clear_ibuf [dreg:s6], $0x2FFFF;
	_ =	strace $0x9FFFFFFF  }
0xc2: {  	(tm) =	ssettm $0x7FFFFFFF  }
0xc3: {  	_ =	shalt  }
tec
execute0_lowered:
.L_overlay_start_1:
0x0: {  	(tag) =	ssettag $0x1  }
0x1: {  	s7 =	rddreg [dreg:$0x0]  }
0x2: {  	s1 =	rddreg [dreg:$0x1]  }
0x3: {  	s0 =	rddreg [dreg:$0x2];
	s2 =	simm.s32 $0x0;
	s3 =	srdreg.scid  }
0x4: {  	s11 =	stileid.u32;
	s18 =	simm.s32 $0x1;
	s19 =	simm.s32 $0x0  }
0x5: {  	[smem:$0x7FF] =	sst s2;
	s6 =	sand.u32 $0x1, s3;
	s4 =	sshll.u32 s11, $0xC  }
0x6: {  	s8 =	smul.u32 $0x2700, s11;
	s3 =	sadd.s32 $0x22A00, s7;
	s10 =	sadd.s32 $0x70E00, s7  }
0x7: {  	s13 =	smul.u32 $0x4E000, s11;
	s17 =	sadd.s32 $0x138000, s1;
	p0 =	sne.s32 s11, $0x0  }
0x8: {  	s31 =	sshll.u32 s11, $0x6;
	s11 =	simm.s32 $0x2;
	s5 =	sshll.u32 s6, $0xB  }
0x9: {  	_ =	strace $0x8000004D;
	s29 =	ssub.s32 $0x2, s6;
	s14 =	smul.u32 $0x138800, s6  }
0xa: {  	s15 =	smul.u32 $0x27100, s6;
	s4 =	sor.u32 s5, s4;
	s9 =	sadd.s32 s8, s7  }
0xb: {  	s12 =	sshrl.u32 s29, $0x1;
	s13 =	sshrl.u32 s13, $0x2;
	s5 =	sadd.s32 s4, s7  }
0xc: {  	s12 =	ssub.s32 s29, s12;
	s16 =	sadd.s32 s13, s1;
	s6 =	sadd.s32 $0x49C00, s9  }
0xd: {  	s30 =	sshrl.u32 s14, $0x3;
	s8 =	sadd.s32 s8, s15;
	s7 =	sadd.s32 $0x70C00, s7  }
0xe: {  	s13 =	sor.u32 $0x1C02, s31;
	s15 =	sshrl.u32 @!p0 s17, $0x3;
	s17 =	simm.s32 $0x8000  }
0xf: {  	s4 =	sadd.s32 $0x12A00, s5;
	s5 =	sadd.s32 $0x2000, s5;
	s9 =	sadd.s32 s10, s30  }
0x10: {  	s8 =	sadd.s32 s10, s8;
	s10 =	smax.u32 s12, $0x1;
	s12 =	simm.s32 $0x4000  }
0x11: {  	s14 =	sshrl.u32 s16, $0x3;
	s16 =	simm.s32 $0x50;
	s9 =	sadd.s32 $0x27000, s9  }
.LBB2_1:
0x12: {  	[tilespmem:s2], [sflag:$0x2] =	stream.linear.gather [hbm4b:s4+s2], $0x3E80, $0x38;
	[tilespmem:$0x1E080] =	vst v63  }
0x13: {  	_ =	swait.ge [sflag:s11], $0x3E80  }
0x14: {  	[sflag:s11] =	ssyncset.done $0x0  }
0x15: {  	[sflag:s11] =	ssyncadd.s32 $0xFFFFC180  }
0x16: {  	[tilespmem:s12], [sflag:$0x2] =	stream.linear.gather [hbm4b:s5+s2], $0x3E80, $0x38;
	[tilespmem:$0x1E080] =	vst v63  }
0x17: {  	_ =	swait.ge [sflag:s11], $0x3E80  }
0x18: {  	[sflag:s11] =	ssyncset.done $0x0  }
0x19: {  	[sflag:s11] =	ssyncadd.s32 $0xFFFFC180  }
0x1a: {  	[spmem:s14], [sflag:s13] =	dma.local [hbm:s6], $0x2700  }
0x1b: {  	_ =	swait.ge [sflag:s11], $0x2700  }
0x1c: {  	[sflag:s11] =	ssyncset.done $0x0  }
0x1d: {  	s20 =	simm.s32 @!p0 $0x2;
	[sflag:s11] =	ssyncadd.s32 $0xFFFFD900  }
0x1e: {  	[spmem:s15], [sflag:s13] =	dma.local @!p0 [hbm:s7], $0x100  }
0x1f: {  	_ =	swait.ge @!p0 [sflag:s20], $0x100  }
0x20: {  	[sflag:s20] =	ssyncset.done @!p0 $0x0  }
0x21: {  	[sflag:s20] =	ssyncadd.s32 @!p0 $0xFFFFFF00  }
0x22: {  	s30 =	simm.s32 $0x0;
	[bflag:$0x0] =	sbarrier.arrive $0xFFFF  }
0x23: {  	[tilespmem:s17], [sflag:$0x1] =	stream.indirect.gather [hbm4b:s3+s16], $0x80, s30, s16, $0xb8;
	[tilespmem:$0x1E080] =	vst v63  }
0x24: {  	_ =	swait.ge [sflag:s18], $0x2800  }
0x25: {  	[sflag:s18] =	ssyncset.done $0x0  }
0x26: {  	s31 =	simm.s32 $0x4000;
	[sflag:s18] =	ssyncadd.s32 $0xFFFFD800  }
0x27: {  	[spmem:s1] =	stream.indirect.scatter.add.f32 [tilespmem:s17], [sflag:$0x2], $0x80, s31, s16, $0xb8;
	[tilespmem:$0x1E080] =	vst v63  }
0x28: {  	_ =	swait.ge [sflag:s11], $0x2800  }
0x29: {  	s21 =	simm.s32 $0x400;
	s20 =	simm.s32 $0x200;
	[sflag:s11] =	ssyncset.done $0x0  }
.LBB2_2:
0x2a: {  	s22 =	sshra.s32 s20, $0x2  }
0x2b: {  	[sflag:s11] =	ssyncadd.s32 $0xFFFFD800;
	s20 =	smov.u32 s21;
	s23 =	sadd.s32 $0x200, s21  }
0x2c: {  	[tilespmem:s17], [sflag:$0x1] =	stream.indirect.gather [hbm4b:s3+s16], $0x80, s22, s16, $0xb8;
	[tilespmem:$0x1E080] =	vst v63  }
0x2d: {  	p1 =	sne.s32 s21, $0xF800;
	_ =	swait.ge [sflag:s18], $0x2800  }
.Ltmp0:
0x2e: {  	[sflag:s18] =	ssyncset.done $0x0;
	(pc) =	sbr.rel @p1 .LBB2_2-.Ltmp0, $4  }
0x2f: {  	s21 =	sadd.s32 $0x4000, s22;
	[sflag:s18] =	ssyncadd.s32 $0xFFFFD800  }
0x30: {  	[spmem:s1] =	stream.indirect.scatter.add.f32 [tilespmem:s17], [sflag:$0x2], $0x80, s21, s16, $0xb8;
	[tilespmem:$0x1E080] =	vst v63  }
0x31: {  	_ =	swait.ge [sflag:s11], $0x2800  }
0x32: {  	s21 =	smov.u32 s23;
	[sflag:s11] =	ssyncset.done $0x0  }
0x33: {  	s20 =	sshra.s32 s20, $0x2;
	[sflag:s11] =	ssyncadd.s32 $0xFFFFD800  }
0x34: {  	[tilespmem:s17], [sflag:$0x1] =	stream.indirect.gather [hbm4b:s3+s16], $0x80, s20, s16, $0xb8;
	[tilespmem:$0x1E080] =	vst v63  }
0x35: {  	_ =	swait.ge [sflag:s18], $0x2800  }
0x36: {  	[sflag:s18] =	ssyncset.done $0x0  }
0x37: {  	s20 =	sadd.s32 $0x4000, s20;
	[sflag:s18] =	ssyncadd.s32 $0xFFFFD800  }
0x38: {  	[spmem:s1] =	stream.indirect.scatter.add.f32 [tilespmem:s17], [sflag:$0x2], $0x80, s20, s16, $0xb8;
	[tilespmem:$0x1E080] =	vst v63  }
0x39: {  	_ =	swait.ge [sflag:s11], $0x2800  }
0x3a: {  	[sflag:s11] =	ssyncset.done $0x0  }
0x3b: {  	[sflag:s11] =	ssyncadd.s32 $0xFFFFD800  }
0x3c: {  	[bflag:$0x0] =	sbarrier.arrive $0xFFFF  }
0x3d: {  	[hbm:s8], [sflag:s13] =	dma.local [spmem:s14], $0x2700  }
0x3e: {  	s19 =	sadd.s32 $0x1, s19;
	_ =	swait.ge [sflag:s11], $0x2700  }
0x3f: {  	p1 =	sne.s32 s19, s10;
	[sflag:s11] =	ssyncset.done $0x0  }
.Ltmp1:
0x40: {  	s20 =	simm.s32 @!p0 $0x2;
	[sflag:s11] =	ssyncadd.s32 $0xFFFFD900;
	(pc) =	sbr.rel @p1 .LBB2_1-.Ltmp1, $4  }
0x41: {  	[hbm:s9], [sflag:s13] =	dma.local @!p0 [spmem:s15], $0x100  }
0x42: {  	_ =	swait.ge @!p0 [sflag:s20], $0x100  }
0x43: {  	[sflag:s20] =	ssyncset.done @!p0 $0x0  }
0x44: {  	[sflag:s20] =	ssyncadd.s32 @!p0 $0xFFFFFF00  }
0x45: {  	_ =	sfence.sel $0x180000  }
0x46: {  	[bflag:$0x0] =	sbarrier.arrive $0xFFFF  }
0x47: {  	_ =	strace $0x9000004D  }
0x48: {  	s0 =	sadd.s32 @!p0 $0x100000, s0;
	[bflag:$0x2] =	sbarrier.arrive $0xFFFF  }
0x49: {  	[sflag:s0] =	ssyncadd.tile.s32 @!p0 $0x1;
	_ =	shalt  }
.Lfunc_end2:
_tile_overlayer_lowered:
.L_overlay_start_2:
0x4a: {  	(tag) =	ssettag $0x2  }
0x4b: {  	s0 =	rddreg [dreg:$0x0];
	s2 =	stileid.u32  }
0x4c: {  	s1 =	rddreg [dreg:$0x1];
	p0 =	sne.s32 s2, $0x0  }
0x4d: {  	s3 =	rddreg [dreg:$0x2];
	[bflag:$0x3] =	sbarrier.arrive $0xFFFF;
	s2 =	simm.s32 @!p0 $0x1C02  }
0x4e: {  	[timem:s3], [sflag:s2] =	dma.local @!p0 [hbm:s0], s1  }
0x4f: {  	s0 =	simm.s32 @!p0 $0x2  }
0x50: {  	_ =	swait.ge @!p0 [sflag:s0], s1  }
0x51: {  	s1 =	ssub.s32 @!p0 $0x0, s1;
	[sflag:s0] =	ssyncset.done @!p0 $0x0  }
0x52: {  	[sflag:s0] =	ssyncadd.s32 @!p0 s1  }
0x53: {  	[bflag:$0x3] =	sbarrier.arrive $0xFFFF  }
0x54: {  	_ =	shalt  }

// kernel: kernel.8.cloned.1.call-start
scs
__scs_entry_jumppad:
0x0: {  	(pc) =	sbr.rel $0x88, $3  }
0x1: {  	(tag) =	ssettag $0x0;
	lr =	simm.s32 $0x1  }
0x2: {  	[smem:$0x3F9A] =	sst lr;
	_ =	strace $0xD0000000  }
0x3: {  	_ = 	snop  }
0x4: {  	_ = 	snop  }
0x5: {  	_ = 	snop  }
0x6: {  	_ = 	snop  }
0x7: {  	_ = 	snop  }
__scs_overlays_trampoline_lowered:
0x8: {  	[smem:$0x3FA9] =	sst s0  }
0x9: {  	[smem:$0x3FAA] =	sst s1  }
0xa: {  	[smem:$0x3FAB] =	sst s2  }
0xb: {  	[smem:$0x3FAC] =	sst s3  }
0xc: {  	[smem:$0x3FAD] =	sst s4  }
0xd: {  	[smem:$0x3FAE] =	sst s5  }
0xe: {  	[smem:$0x3FAF] =	sst s6  }
0xf: {  	[smem:$0x3FB0] =	sst s7  }
0x10: {  	[smem:$0x3FB1] =	sst s8  }
0x11: {  	[smem:$0x3FB2] =	sst s9;
	s0 =	simm.s32 @!p0 $0x0  }
0x12: {  	s1 =	sld [smem:$0x3F98];
	s0 =	simm.s32 @p0 $0x1  }
0x13: {  	[smem:$0x3FB3] =	sst s0;
	s0 =	simm.s32 @!p1 $0x0  }
0x14: {  	s2 =	sld [smem:$0x3F97];
	s0 =	simm.s32 @p1 $0x1  }
0x15: {  	[smem:$0x3FB4] =	sst s0;
	s0 =	simm.s32 @!p2 $0x0  }
0x16: {  	s3 =	sld [smem:$0x3FDB];
	s0 =	simm.s32 @p2 $0x1  }
0x17: {  	s4 =	simm.s32 $0x1BF5;
	[smem:$0x3FB6] =	sst s0  }
0x18: {  	s0 =	sld [smem:$0x3F99];
	_ =	swait.ge [sflag:s4], $0x0  }
0x19: {  	s7 =	sld [smem:$0x3F9A]  }
0x1a: {  	s8 =	sadd.s32 $0xFFFFE003, lr  }
0x1b: {  	s9 =	sadd.s32 $0xFFFFFEF7, lr;
	s5 =	simm.s32 $0xFFFFFFFF;
	p2 =	slt.u32 s8, $0xFFFFF086  }
0x1c: {  	p1 =	slt.u32 s9, $0xF7A;
	s5 =	simm.s32 @!p2 $0x0  }
0x1d: {  	s5 =	simm.s32 @p1 $0x1;
	p0 =	seq.s32 s7, s2  }
0x1e: {  	s7 =	smul.u32 @!p0 $0xF7A, s2;
	p2 =	seq.s32 @!p0 s5, $0x0  }
0x1f: {  	s9 =	smul.u32 $0xF7A, s1;
	s8 =	simm.s32 @!p0 $0x1BF5;
	p2 =	por !p2, p0  }
0x20: {  	[sflag:s8] =	ssyncset.s32 @!p0 $0xFFFFF086;
	s6 =	sadd.s32 @!p0 s3, s7;
	s7 =	simm.s32 @!p0 $0x108  }
0x21: {  	s3 =	sadd.s32 s3, s9;
	s6 =	sadd.s32 @!p0 $0x88, s6;
	s7 =	simm.s32 @p2 $0x1082  }
0x22: {  	[simem:s7], [sflag:s8] =	dma.local @!p0 [hbm:s6], $0xF7A  }
0x23: {  	s9 =	sor.u32 $0xD0000000, s2;
	s6 =	simm.s32 $0x108;
	_ =	swait.ge @!p0 [sflag:s8], $0x0  }
0x24: {  	s3 =	sadd.s32 $0x88, s3;
	s6 =	simm.s32 @!p1 $0x1082;
	[sflag:s4] =	ssyncset.s32 $0xFFFFF086  }
0x25: {  	[simem:s6], [sflag:s4] =	dma.local [hbm:s3], $0xF7A  }
0x26: {  	[smem:$0x3F9A] =	sst s1;
	(tag) =	ssettag s2;
	_ =	strace s9  }
0x27: {  	s1 =	sld [smem:$0x3FAA]  }
0x28: {  	s2 =	sld [smem:$0x3FAB]  }
0x29: {  	s4 =	sld [smem:$0x3FAD]  }
0x2a: {  	p0 =	seq.s32 s5, $0x0;
	s5 =	sld [smem:$0x3FAE]  }
0x2b: {  	s6 =	sld [smem:$0x3FAF]  }
0x2c: {  	s7 =	sld [smem:$0x3FB0]  }
0x2d: {  	s3 =	simm.s32 $0x108;
	s8 =	sld [smem:$0x3FB1]  }
0x2e: {  	s3 =	simm.s32 @!p0 $0x1082;
	s9 =	sld [smem:$0x3FB2]  }
0x2f: {  	lr =	sadd.s32 s0, s3;
	s0 =	sld [smem:$0x3FA9]  }
0x30: {  	s3 =	sld [smem:$0x3FAC]  }
0x31: {  	[smem:$0x3FB5] =	sst s10  }
0x32: {  	s10 =	sld [smem:$0x3FB3];
	_ =	sdelay $0x3  }
0x33: {  	p0 =	seq.s32 s10, $0x1;
	s10 =	sld [smem:$0x3FB5];
	_ =	sdelay $0x3  }
0x34: {  	[smem:$0x3FB5] =	sst s10  }
0x35: {  	s10 =	sld [smem:$0x3FB4];
	_ =	sdelay $0x3  }
0x36: {  	p1 =	seq.s32 s10, $0x1;
	s10 =	sld [smem:$0x3FB5];
	_ =	sdelay $0x3  }
0x37: {  	[smem:$0x3FB5] =	sst s10  }
0x38: {  	s10 =	sld [smem:$0x3FB6]  }
0x39: {  	_ = 	snop;
	(pc) =	sbr.ind lr, $3  }
0x3a: {  	_ = 	snop  }
0x3b: {  	_ = 	snop  }
0x3c: {  	p2 =	seq.s32 s10, $0x1;
	s10 =	sld [smem:$0x3FB5]  }
0x3d: {  	_ =	shalt  }
0x3e: {  	_ =	shalt  }
0x3f: {  	_ =	shalt  }
0x40: {  	_ =	shalt  }
0x41: {  	_ =	shalt  }
0x42: {  	_ =	shalt  }
0x43: {  	_ =	shalt  }
0x44: {  	_ =	shalt  }
0x45: {  	_ =	shalt  }
0x46: {  	_ =	shalt  }
0x47: {  	_ =	shalt  }
0x48: {  	_ =	shalt  }
0x49: {  	_ =	shalt  }
0x4a: {  	_ =	shalt  }
0x4b: {  	_ =	shalt  }
0x4c: {  	_ =	shalt  }
0x4d: {  	_ =	shalt  }
0x4e: {  	_ =	shalt  }
0x4f: {  	_ =	shalt  }
0x50: {  	_ =	shalt  }
0x51: {  	_ =	shalt  }
0x52: {  	_ =	shalt  }
0x53: {  	_ =	shalt  }
0x54: {  	_ =	shalt  }
0x55: {  	_ =	shalt  }
0x56: {  	_ =	shalt  }
0x57: {  	_ =	shalt  }
0x58: {  	_ =	shalt  }
0x59: {  	_ =	shalt  }
0x5a: {  	_ =	shalt  }
0x5b: {  	_ =	shalt  }
0x5c: {  	_ =	shalt  }
0x5d: {  	_ =	shalt  }
0x5e: {  	_ =	shalt  }
0x5f: {  	_ =	shalt  }
0x60: {  	_ =	shalt  }
0x61: {  	_ =	shalt  }
0x62: {  	_ =	shalt  }
0x63: {  	_ =	shalt  }
0x64: {  	_ =	shalt  }
0x65: {  	_ =	shalt  }
0x66: {  	_ =	shalt  }
0x67: {  	_ =	shalt  }
0x68: {  	_ =	shalt  }
0x69: {  	_ =	shalt  }
0x6a: {  	_ =	shalt  }
0x6b: {  	_ =	shalt  }
0x6c: {  	_ =	shalt  }
0x6d: {  	_ =	shalt  }
0x6e: {  	_ =	shalt  }
0x6f: {  	_ =	shalt  }
0x70: {  	_ =	shalt  }
0x71: {  	_ =	shalt  }
0x72: {  	_ =	shalt  }
0x73: {  	_ =	shalt  }
0x74: {  	_ =	shalt  }
0x75: {  	_ =	shalt  }
0x76: {  	_ =	shalt  }
0x77: {  	_ =	shalt  }
0x78: {  	_ =	shalt  }
0x79: {  	_ =	shalt  }
0x7a: {  	_ =	shalt  }
0x7b: {  	_ =	shalt  }
0x7c: {  	_ =	shalt  }
0x7d: {  	_ =	shalt  }
0x7e: {  	_ =	shalt  }
0x7f: {  	_ =	shalt  }
0x80: {  	_ =	shalt  }
0x81: {  	_ =	shalt  }
0x82: {  	_ =	shalt  }
0x83: {  	_ =	shalt  }
0x84: {  	_ =	shalt  }
0x85: {  	_ =	shalt  }
0x86: {  	_ =	shalt  }
0x87: {  	_ =	shalt  }
.Lfunc_end0:
.L_simem_size_0:
called_computation_lowered:
.L_overlay_start_0:
0x88: {  	s2 =	sld [smem:$0x3FD9]  }
0x89: {  	s3 =	sld [smem:$0x3FFE];
	_ =	sdelay $0x1  }
0x8a: {  	s1 =	srdreg.scid  }
0x8b: {  	s0 =	sand.u32 $0x1, s1  }
0x8c: {  	s16 =	sshll.u32 s0, $0xA;
	s2 =	sadd.s32 s3, s2  }
0x8d: {  	s2 =	sadd.s32 s2, s16  }
0x8e: {  	[smem:$0x3FC1] =	sst s2  }
0x8f: {  	_ = 	snop  }
0x90: {  	(tm) =	ssettm $0x1  }
0x91: {  	s17 =	sld [smem:$0x3FFB];
	_ =	sdelay $0x3  }
0x92: {  	_ =	strace s17  }
0x93: {  	s2 =	sld [smem:$0x3FFC];
	_ =	sdelay $0x3  }
0x94: {  	_ =	strace s2  }
0x95: {  	s2 =	sld [smem:$0x3FFD];
	_ =	sdelay $0x3  }
0x96: {  	_ =	strace s2  }
0x97: {  	_ =	strace $0x8FFFFFFF  }
0x98: {  	s18 =	sld [smem:$0x3FDB];
	_ =	sdelay $0x1  }
0x99: {  	s19 =	simm.s32 $_scs_section_size  }
0x9a: {  	s4 =	simm.s32 $_size__tile_overlayer_lowered;
	s5 =	simm.s32 $_tile_overlayer_lowered  }
0x9b: {  	s22 =	simm.s32 $0x1BFF;
	s21 =	sshll.u32 s5, $0x1;
	s2 =	sadd.s32 s19, s18  }
0x9c: {  	s6 =	simm.s32 $0x0;
	s20 =	sshll.u32 s4, $0x1;
	s4 =	sadd.s32 s21, s2  }
0x9d: {  	[timem:s6], [sflag:s22] =	dma.local [hbm:s4], s20  }
0x9e: {  	_ =	swait.ge [sflag:s22], s20  }
0x9f: {  	s3 =	ssub.s32 $0x0, s20;
	[sflag:s22] =	ssyncset.done $0x0  }
0xa0: {  	[sflag:s22] =	ssyncadd.s32 s3;
	_ =	sdelay $0x1  }
0xa1: {  	s23 =	simm.s32 $0x1B8B  }
0xa2: {  	_ =	swait.ge [sflag:s23], $0x1  }
0xa3: {  	[sflag:s23] =	ssyncset.done $0x0  }
0xa4: {  	s25 =	simm.s32 $0x1B8E;
	s24 =	sld [smem:$0x3FFE];
	[sflag:s23] =	ssyncadd.s32 $0xFFFFFFFF  }
0xa5: {  	s26 =	simm.s32 $execute0_lowered;
	[smem:$0x3FD2] =	sst s25  }
0xa6: {  	s4 =	sshll.u32 s26, $0x1;
	_ =	strace $0x80000046;
	[dreg:$0x1] =	wrdreg $0xFFFFFFFF  }
0xa7: {  	s28 =	simm.s32 $_size_execute0_lowered;
	s2 =	sadd.s32 s2, s4;
	[dreg:$0x0] =	wrdreg $0x0  }
0xa8: {  	s4 =	sshll.u32 s28, $0x1;
	[dreg:$0x2] =	wrdreg s2  }
0xa9: {  	[dreg:$0x3] =	wrdreg s4  }
0xaa: {  	[dreg:$0x4] =	wrdreg $0xC0  }
0xab: {  	_ =	task [dreg:s6], $0x5FFFF  }
0xac: {  	[dreg:$0x1] =	wrdreg $0xFFFFFFFF  }
0xad: {  	[dreg:$0x0] =	wrdreg $0x60  }
0xae: {  	[dreg:$0x2] =	wrdreg s24  }
0xaf: {  	[dreg:$0x3] =	wrdreg $0x68000  }
0xb0: {  	[dreg:$0x4] =	wrdreg $0x9  }
0xb1: {  	_ =	task.clear_ibuf [dreg:s6], $0x5FFFF;
	_ =	strace $0x90000046  }
0xb2: {  	s29 =	simm.s32 $0x9;
	_ =	strace $0x80000048  }
0xb3: {  	_ =	swait.ge [sflag:s29], $0x1  }
0xb4: {  	[sflag:s29] =	ssyncadd.s32 $0xFFFFFFFF  }
0xb5: {  	_ =	strace $0x90000048  }
0xb6: {  	_ =	sfence  }
0xb7: {  	s30 =	sld [smem:$0x0];
	_ =	sdelay $0x2  }
0xb8: {  	s31 =	sshll.u32 s1, $0xD;
	s1 =	sshrl.u32 s1, $0x2  }
0xb9: {  	s3 =	sand.u32 $0x4000, s31;
	s1 =	sadd.s32 s1, s30  }
0xba: {  	s0 =	sor.u32 s3, s0;
	s1 =	sshll.u32 s1, $0x11  }
0xbb: {  	s0 =	sor.u32 s1, s0  }
0xbc: {  	s0 =	sadd.s32 $0x8F2B, s0  }
0xbd: {  	[sflag:s0] =	ssyncadd.remote.s32 $0x1  }
0xbe: {  	_ =	sfence.sel $0xFFFF  }
0xbf: {  	[dreg:$0x0] =	wrdreg $0xFFFFFFFF;
	(pc) =	sbr.abs _section_cstart, $3  }
0xc0: {  	[dreg:$0x1] =	wrdreg $0xFFFFFFFF  }
0xc1: {  	_ =	task.clear_ibuf [dreg:s6], $0x2FFFF;
	_ =	strace $0x9FFFFFFF  }
0xc2: {  	(tm) =	ssettm $0x7FFFFFFF  }
0xc3: {  	_ =	shalt  }
tec
execute0_lowered:
.L_overlay_start_1:
0x0: {  	(tag) =	ssettag $0x1  }
0x1: {  	s3 =	rddreg [dreg:$0x0]  }
0x2: {  	s1 =	rddreg [dreg:$0x1]  }
0x3: {  	s0 =	rddreg [dreg:$0x2]  }
0x4: {  	s2 =	simm.s32 $0x0;
	s4 =	srdreg.scid;
	s7 =	stileid.u32  }
0x5: {  	s10 =	simm.s32 $0x0;
	[smem:$0x7FF] =	sst s2;
	s4 =	sand.u32 $0x1, s4  }
0x6: {  	s9 =	sshll.u32 s7, $0xC;
	p0 =	sne.s32 s7, $0x0;
	s7 =	simm.s32 $0x4080  }
0x7: {  	s5 =	sshll.u32 s4, $0xB;
	s6 =	smul.u32 $0x4E2, s4;
	s4 =	ssub.s32 $0x2, s4  }
0x8: {  	_ =	strace $0x80000047;
	s5 =	sadd.s32 s5, s3;
	s8 =	sshrl.u32 s4, $0x1  }
0x9: {  	s6 =	sadd.s32 s6, s3;
	s8 =	ssub.s32 s4, s8;
	s31 =	sadd.s32 s9, s5  }
0xa: {  	s9 =	simm.s32 $0x4000;
	s3 =	sadd.s32 $0x2000, s31;
	s4 =	sadd.s32 $0x12000, s6  }
0xb: {  	v0 =	vimm.f32 $1.000000000e+00;
	v1 =	vimm.f32 $0.0e+00;
	s5 =	smax.u32 s8, $0x1;
	s6 =	simm.s32 $0x1;
	s8 =	simm.s32 $0x50  }
.LBB2_1:
0xc: {  	[tilespmem:s2], [sflag:$0x1] =	stream.linear.gather [hbm4b:s3+s2], $0x3E80, $0x38;
	[tilespmem:$0x6A78] =	vst v63  }
0xd: {  	_ =	swait.ge [sflag:s6], $0x3E80  }
0xe: {  	[sflag:s6] =	ssyncset.done $0x0  }
0xf: {  	[sflag:s6] =	ssyncadd.s32 $0xFFFFC180  }
.Ltmp0:
0x10: {  	[tilespmem:$0x4000] =	vst v0;
	(pc) =	sbr.rel @p0 .LBB2_5-.Ltmp0, $4  }
0x11: {  	[tilespmem:$0x4010] =	vst v0  }
0x12: {  	[tilespmem:$0x4020] =	vst v0  }
0x13: {  	[tilespmem:$0x4030] =	vst v0  }
0x14: {  	[tilespmem:$0x4040] =	vst v0  }
0x15: {  	s11 =	simm.s32 $0x40;
	s12 =	simm.s32 $0x0  }
.LBB2_3:
0x16: {  	p1 =	sne.s32 s11, $0x9C00;
	[tilespmem:s12+$0x4080] =	vst v1;
	s12 =	smov.u32 s11;
	s11 =	sadd.s32 $0x40, s11  }
.Ltmp1:
0x17: {  	(pc) =	sbr.rel @p1 .LBB2_3-.Ltmp1, $2  }
0x18: {  	_ =	sdelay $0x2  }
0x19: {  	s12 =	sshra.s32 s12, $0x2  }
0x1a: {  	[tilespmem:s12+$0x4080] =	vst v1  }
0x1b: {  	[spmem:s1] =	stream.linear.scatter [tilespmem:s7], [sflag:$0x1], $0x2780, $0x38;
	[tilespmem:$0x6A78] =	vst v63  }
0x1c: {  	_ =	swait.ge [sflag:s6], $0x2780  }
0x1d: {  	[sflag:s6] =	ssyncset.done $0x0  }
0x1e: {  	[sflag:s6] =	ssyncadd.s32 $0xFFFFD880  }
.LBB2_5:
0x1f: {  	[bflag:$0x0] =	sbarrier.arrive $0xFFFF;
	s11 =	simm.s32 $0x0  }
0x20: {  	[spmem:s1] =	stream.indirect.scatter.add.f32 [tilespmem:s9], [sflag:$0x1], $0x1, s11, s8, $0xb8;
	[tilespmem:$0x6A78] =	vst v63  }
0x21: {  	_ =	swait.ge [sflag:s6], $0x50  }
0x22: {  	s11 =	simm.s32 $0x200;
	[sflag:s6] =	ssyncset.done $0x0  }
.LBB2_6:
0x23: {  	s12 =	sshra.s32 s11, $0x2;
	[sflag:s6] =	ssyncadd.s32 $0xFFFFFFB0;
	p1 =	sne.s32 s11, $0xF800  }
0x24: {  	[spmem:s1] =	stream.indirect.scatter.add.f32 [tilespmem:s9], [sflag:$0x1], $0x1, s12, s8, $0xb8;
	[tilespmem:$0x6A78] =	vst v63  }
.Ltmp2:
0x25: {  	_ = 	snop;
	(pc) =	sbr.rel @p1 .LBB2_6-.Ltmp2, $4  }
0x26: {  	_ = 	snop  }
0x27: {  	s11 =	sadd.s32 $0x200, s11  }
0x28: {  	_ =	swait.ge [sflag:s6], $0x50  }
0x29: {  	[sflag:s6] =	ssyncset.done $0x0  }
0x2a: {  	[sflag:s6] =	ssyncadd.s32 $0xFFFFFFB0  }
0x2b: {  	s11 =	simm.s32 @!p0 $0x4080;
	s12 =	simm.s32 @!p0 $0x1;
	[bflag:$0x0] =	sbarrier.arrive $0xFFFF  }
0x2c: {  	[tilespmem:s11], [sflag:$0x1] =	stream.linear.gather @!p0 [spmem:s1], $0x2780, $0x38;
	[tilespmem:$0x6A78] =	vst v63  }
0x2d: {  	s10 =	sadd.s32 $0x1, s10;
	_ =	swait.ge @!p0 [sflag:s12], $0x2780  }
0x2e: {  	p1 =	sne.s32 s10, s5;
	[sflag:s12] =	ssyncset.done @!p0 $0x0  }
.Ltmp3:
0x2f: {  	s13 =	simm.s32 @!p0 $0x0;
	[sflag:s12] =	ssyncadd.s32 @!p0 $0xFFFFD880;
	(pc) =	sbr.rel @p1 .LBB2_1-.Ltmp3, $4  }
0x30: {  	[hbm4b:s4+s13] =	stream.linear.scatter @!p0 [tilespmem:s11], [sflag:$0x1], $0x2710, $0x38;
	[tilespmem:$0x6A78] =	vst v63  }
0x31: {  	_ =	swait.ge @!p0 [sflag:s12], $0x2710  }
0x32: {  	[sflag:s12] =	ssyncset.done @!p0 $0x0  }
0x33: {  	[sflag:s12] =	ssyncadd.s32 @!p0 $0xFFFFD8F0  }
0x34: {  	_ =	sfence.sel $0x180000  }
0x35: {  	[bflag:$0x0] =	sbarrier.arrive $0xFFFF  }
0x36: {  	_ =	strace $0x90000047  }
0x37: {  	s0 =	sadd.s32 @!p0 $0x100000, s0;
	[bflag:$0x2] =	sbarrier.arrive $0xFFFF  }
0x38: {  	[sflag:s0] =	ssyncadd.tile.s32 @!p0 $0x1;
	_ =	shalt  }
.Lfunc_end2:
_tile_overlayer_lowered:
.L_overlay_start_2:
0x39: {  	(tag) =	ssettag $0x2  }
0x3a: {  	s0 =	rddreg [dreg:$0x0];
	s2 =	stileid.u32  }
0x3b: {  	s1 =	rddreg [dreg:$0x1];
	p0 =	sne.s32 s2, $0x0  }
0x3c: {  	s3 =	rddreg [dreg:$0x2];
	[bflag:$0x3] =	sbarrier.arrive $0xFFFF;
	s2 =	simm.s32 @!p0 $0x1C01  }
0x3d: {  	[timem:s3], [sflag:s2] =	dma.local @!p0 [hbm:s0], s1  }
0x3e: {  	s0 =	simm.s32 @!p0 $0x1  }
0x3f: {  	_ =	swait.ge @!p0 [sflag:s0], s1  }
0x40: {  	s1 =	ssub.s32 @!p0 $0x0, s1;
	[sflag:s0] =	ssyncset.done @!p0 $0x0  }
0x41: {  	[sflag:s0] =	ssyncadd.s32 @!p0 s1  }
0x42: {  	[bflag:$0x3] =	sbarrier.arrive $0xFFFF  }
0x43: {  	_ =	shalt  }

</sc_bundles>
